<compile_context>
chip_gen: v7x
topology: tpu7x:2x2x1
jax: 0.10.2.dev20260603
libtpu: 0.0.44.dev20260713+nightly
codegen_flags: <defaults>
</compile_context>

<pallas_src>
import functools

import jax
import jax.numpy as jnp
from jax import lax
from jax.experimental import pallas as pl
from jax.experimental.pallas import tpu as pltpu
from jax.experimental.pallas import tpu_sc as plsc

T = 32
GRP = 4
NC, NS = 2, 16
NW = NC * NS


def _router_body(xf_ref, wg_ref, eb_ref, sg_ref, su_ref, sd_ref,
                 sh_ref, post_ref, te_ref, xg_ref, wp_ref, nt_ref):
    N, D = xf_ref.shape
    E = wg_ref.shape[0]
    MAXT = te_ref.shape[0]
    Pp = xg_ref.shape[0]
    f32 = jnp.float32
    xf = xf_ref[...]

    logits = lax.dot_general(xf, wg_ref[...], (((1,), (1,)), ((), ())),
                             preferred_element_type=f32)
    bl = logits + eb_ref[...]
    col = lax.broadcasted_iota(jnp.int32, (N, E), 1)
    neg = jnp.float32(-1e30)

    m1 = jnp.max(bl, axis=1, keepdims=True)
    a1 = jnp.min(jnp.where(bl == m1, col, E), axis=1, keepdims=True)
    oh1 = col == a1
    bl2 = jnp.where(oh1, neg, bl)
    m2 = jnp.max(bl2, axis=1, keepdims=True)
    a2 = jnp.min(jnp.where(bl2 == m2, col, E), axis=1, keepdims=True)
    oh2 = col == a2

    l1 = jnp.sum(jnp.where(oh1, logits, 0.0), axis=1, keepdims=True)
    l2 = jnp.sum(jnp.where(oh2, logits, 0.0), axis=1, keepdims=True)
    w1 = 1.0 / (1.0 + jnp.exp(l2 - l1))
    w2 = 1.0 / (1.0 + jnp.exp(l1 - l2))

    onehot = oh1.astype(f32) + oh2.astype(f32)
    counts = jnp.sum(onehot, axis=0, keepdims=True)
    r = lax.broadcasted_iota(jnp.int32, (N, N), 0)
    c = lax.broadcasted_iota(jnp.int32, (N, N), 1)
    ltri = (c < r).astype(f32)
    rank = lax.dot_general(ltri, onehot, (((1,), (0,)), ((), ())),
                           preferred_element_type=f32)
    padded = jnp.floor((counts + (T - 1)) / T) * T
    erow = lax.broadcasted_iota(jnp.int32, (E, E), 0)
    ecol = lax.broadcasted_iota(jnp.int32, (E, E), 1)
    incl = (erow <= ecol).astype(f32)
    pend = lax.dot_general(padded, incl, (((1,), (0,)), ((), ())),
                           preferred_element_type=f32)
    poff = pend - padded
    posmat = poff + rank
    p1 = jnp.sum(jnp.where(oh1, posmat, 0.0), axis=1, keepdims=True)
    p2 = jnp.sum(jnp.where(oh2, posmat, 0.0), axis=1, keepdims=True)
    p1i = p1.astype(jnp.int32).reshape(1, N)
    p2i = p2.astype(jnp.int32).reshape(1, N)
    post_ref[...] = jnp.concatenate([p1i, p2i], axis=0)

    tstart = (lax.broadcasted_iota(jnp.int32, (MAXT, E), 0) * T).astype(f32)
    te = jnp.sum((jnp.broadcast_to(pend, (MAXT, E)) <= tstart).astype(jnp.int32),
                 axis=1, keepdims=True)
    te_ref[...] = jnp.minimum(te, E - 1)
    nt_ref[...] = (jnp.sum(padded, axis=1, keepdims=True) / T).astype(jnp.int32)

    bf16 = jnp.bfloat16
    pio = lax.broadcasted_iota(jnp.int32, (Pp, N), 0)
    sel0 = (pio == p1i).astype(bf16)
    sel1 = (pio == p2i).astype(bf16)
    xg_ref[...] = lax.dot_general(sel0 + sel1, xf.astype(bf16),
                                  (((1,), (0,)), ((), ())),
                                  preferred_element_type=f32).astype(bf16)
    wp_ref[...] = (
        lax.dot_general(sel0, w1.astype(bf16), (((1,), (0,)), ((), ())),
                        preferred_element_type=f32)
        + lax.dot_general(sel1, w2.astype(bf16), (((1,), (0,)), ((), ())),
                          preferred_element_type=f32))

    gs = lax.dot_general(xf, sg_ref[...], (((1,), (1,)), ((), ())),
                         preferred_element_type=f32)
    us = lax.dot_general(xf, su_ref[...], (((1,), (1,)), ((), ())),
                         preferred_element_type=f32)
    hs = gs * (1.0 / (1.0 + jnp.exp(-gs))) * us
    sh_ref[...] = lax.dot_general(hs, sd_ref[...], (((1,), (1,)), ((), ())),
                                  preferred_element_type=f32)


def _ffn_body(te_ref, nt_ref, xg_ref, *refs):
    y_ref = refs[-1]
    i = pl.program_id(0)
    for t in range(GRP):
        wg_ref, wu_ref, wd_ref = refs[3 * t:3 * t + 3]
        wp_ref = refs[3 * GRP + t]

        @pl.when(GRP * i + t < nt_ref[0])
        def _(t=t, wg_ref=wg_ref, wu_ref=wu_ref, wd_ref=wd_ref,
              wp_ref=wp_ref):
            xt = xg_ref[t * T:(t + 1) * T, :]
            g = lax.dot_general(xt, wg_ref[0].astype(jnp.bfloat16),
                                (((1,), (1,)), ((), ())),
                                preferred_element_type=jnp.float32)
            u = lax.dot_general(xt, wu_ref[0].astype(jnp.bfloat16),
                                (((1,), (1,)), ((), ())),
                                preferred_element_type=jnp.float32)
            h = g * (1.0 / (1.0 + jnp.exp(-g))) * u
            y = lax.dot_general(h.astype(jnp.bfloat16),
                                wd_ref[0].astype(jnp.bfloat16),
                                (((1,), (1,)), ((), ())),
                                preferred_element_type=jnp.float32)
            y_ref[t * T:(t + 1) * T, :] = y * wp_ref[0, 0, :][:, None]


def kernel(x, Wgate, expert_bias, Wg, Wu, Wd, Sg, Su, Sd):
    B, S, D = x.shape
    E, F = Wg.shape[0], Wg.shape[1]
    N = B * S
    A = 2 * N
    maxp = A + E * (T - 1)
    P = ((maxp + 8 * NW - 1) // (8 * NW)) * (8 * NW)
    MAXT = P // T
    xf = x.reshape(N, D)

    sh, post, te, xg, wp, nt = pl.pallas_call(
        _router_body,
        out_shape=[
            jax.ShapeDtypeStruct((N, D), jnp.float32),
            jax.ShapeDtypeStruct((2, N), jnp.int32),
            jax.ShapeDtypeStruct((MAXT, 1), jnp.int32),
            jax.ShapeDtypeStruct((P, D), jnp.bfloat16),
            jax.ShapeDtypeStruct((P, 1), jnp.float32),
            jax.ShapeDtypeStruct((1, 1), jnp.int32),
        ],
    )(xf, Wgate, expert_bias.reshape(1, E), Sg, Su, Sd)
    te = te.reshape(MAXT)
    nt = nt.reshape(1)
    mesh = plsc.VectorSubcoreMesh(core_axis_name="c", subcore_axis_name="s")

    grid_spec = pltpu.PrefetchScalarGridSpec(
        num_scalar_prefetch=2,
        grid=(MAXT // GRP,),
        in_specs=(
            [pl.BlockSpec((GRP * T, D), lambda i, te, nt: (i, 0))]
            + [s
               for k in range(GRP)
               for s in (
                   pl.BlockSpec((1, F, D),
                                lambda i, te, nt, k=k: (te[GRP * i + k], 0, 0)),
                   pl.BlockSpec((1, F, D),
                                lambda i, te, nt, k=k: (te[GRP * i + k], 0, 0)),
                   pl.BlockSpec((1, D, F),
                                lambda i, te, nt, k=k: (te[GRP * i + k], 0, 0)),
               )]
            + [pl.BlockSpec((1, 1, T),
                            lambda i, te, nt, k=k: (GRP * i + k, 0, 0))
               for k in range(GRP)]
        ),
        out_specs=pl.BlockSpec((GRP * T, D), lambda i, te, nt: (i, 0)),
    )
    wp3 = wp.reshape(MAXT, 1, T)
    y_pad = pl.pallas_call(
        _ffn_body,
        grid_spec=grid_spec,
        out_shape=jax.ShapeDtypeStruct((P, D), jnp.float32),
    )(te, nt, xg, *([Wg, Wu, Wd] * GRP), *([wp3] * GRP))

    tpw = N // NW

    @functools.partial(
        pl.kernel, mesh=mesh,
        out_type=jax.ShapeDtypeStruct((N, D), jnp.float32),
        scratch_types=[
            pltpu.VMEM((tpw,), jnp.int32),
            pltpu.VMEM((tpw,), jnp.int32),
            pltpu.VMEM((tpw, D), jnp.float32),
            pltpu.VMEM((tpw, D), jnp.float32),
            pltpu.VMEM((tpw, D), jnp.float32),
            pltpu.SemaphoreType.DMA,
            pltpu.SemaphoreType.DMA,
        ],
    )
    def _combine_k(pt_hbm, y_hbm, sh_hbm, out_hbm,
                   i0_v, i1_v, r0_v, r1_v, acc_v, sem0, sem1):
        wid = lax.axis_index("s") * NC + lax.axis_index("c")
        base = wid * tpw
        pltpu.sync_copy(pt_hbm.at[0, pl.ds(base, tpw)], i0_v)
        pltpu.sync_copy(pt_hbm.at[1, pl.ds(base, tpw)], i1_v)
        c0 = pltpu.async_copy(y_hbm.at[i0_v], r0_v, sem0)
        c1 = pltpu.async_copy(y_hbm.at[i1_v], r1_v, sem1)
        pltpu.sync_copy(sh_hbm.at[pl.ds(base, tpw)], acc_v)
        c0.wait()
        c1.wait()
        nv = D // 16
        for i in range(tpw):
            def add_row(j, _, i=i):
                s = acc_v[i, pl.ds(j * 16, 16)]
                s = s + r0_v[i, pl.ds(j * 16, 16)]
                s = s + r1_v[i, pl.ds(j * 16, 16)]
                acc_v[i, pl.ds(j * 16, 16)] = s
                return 0
            lax.fori_loop(0, nv, add_row, 0)
        pltpu.sync_copy(acc_v, out_hbm.at[pl.ds(base, tpw)])

    out = _combine_k(post, y_pad, sh)
    return out.reshape(B, S, D)

# --- scband reference (transcript-rebuilt; emitter-appended) ---
"""Pipeline reference for scband-mo-elayer-35579509080438 (READ-ONLY COPY).

The authoritative reference and input builder live on the scoring server;
editing this copy changes nothing except your own understanding.
"""

import jax, jax.numpy as jnp
import numpy as np


def setup_inputs(seed: int = 0) -> dict:
    key = jax.random.key(seed)
    ks = jax.random.split(key, 8)
    B, S, D, E, F = 32, 16, 768, 64, 256
    x = jax.random.normal(ks[0], (B, S, D), dtype=jnp.float32)
    Wgate = jax.random.normal(ks[1], (E, D), dtype=jnp.float32) * (D ** -0.5)
    Wg = jax.random.normal(ks[2], (E, F, D), dtype=jnp.float32) * 0.02
    Wu = jax.random.normal(ks[3], (E, F, D), dtype=jnp.float32) * 0.02
    Wd = jax.random.normal(ks[4], (E, D, F), dtype=jnp.float32) * 0.02
    Sg = jax.random.normal(ks[5], (F, D), dtype=jnp.float32) * 0.02
    Su = jax.random.normal(ks[6], (F, D), dtype=jnp.float32) * 0.02
    Sd = jax.random.normal(ks[7], (D, F), dtype=jnp.float32) * 0.02
    expert_bias = jnp.zeros((E,), dtype=jnp.float32)
    return {"x": x, "Wgate": Wgate, "expert_bias": expert_bias,
            "Wg": Wg, "Wu": Wu, "Wd": Wd, "Sg": Sg, "Su": Su, "Sd": Sd}


def reference(x, Wgate, expert_bias, Wg, Wu, Wd, Sg, Su, Sd):
    n_active = 2
    B, S, D = x.shape
    E = Wgate.shape[0]
    flat_x = x.reshape(-1, D)
    N = flat_x.shape[0]
    # router
    router_logits = flat_x @ Wgate.T
    router_probs = jax.nn.softmax(router_logits, axis=-1)
    biased_logits = router_logits + expert_bias[None, :]
    _, top_idx = jax.lax.top_k(biased_logits, n_active)
    top_w = jnp.take_along_axis(router_probs, top_idx, axis=-1)
    top_w = top_w / jnp.sum(top_w, axis=-1, keepdims=True)
    # combine weights [N, E] via scatter-add (topk indices are unique per token)
    combine = jnp.zeros((N, E), dtype=flat_x.dtype).at[jnp.arange(N)[:, None], top_idx].add(top_w)
    # expert SwiGLU FFNs (computed densely, combined with routing weights)
    g = jnp.einsum('nd,efd->nef', flat_x, Wg)
    u = jnp.einsum('nd,efd->nef', flat_x, Wu)
    h = jax.nn.silu(g) * u
    y = jnp.einsum('nef,edf->ned', h, Wd)
    out = jnp.einsum('ned,ne->nd', y, combine)
    # shared expert
    sh = (jax.nn.silu(flat_x @ Sg.T) * (flat_x @ Su.T)) @ Sd.T
    out = out + sh
    return out.reshape(B, S, D)

if __name__ == "__main__":
    import jax
    _d = setup_inputs()
    print(jax.jit(kernel)(*tuple(_d.values())))

</pallas_src>

<mosaic_0001>
#map = affine_map<(d0, d1) -> (0, 0)>
module attributes {stable_mosaic.version = 14 : i64} {
  func.func @_combine_k(%arg0: i32, %arg1: i32, %arg2: memref<2x512xi32, #tpu.memory_space<hbm>>, %arg3: memref<3072x768xf32, #tpu.memory_space<hbm>>, %arg4: memref<512x768xf32, #tpu.memory_space<hbm>>, %arg5: memref<512x768xf32, #tpu.memory_space<hbm>>, %arg6: memref<16xi32, #tpu.memory_space<vmem>>, %arg7: memref<16xi32, #tpu.memory_space<vmem>>, %arg8: memref<16x768xf32, #tpu.memory_space<vmem>>, %arg9: memref<16x768xf32, #tpu.memory_space<vmem>>, %arg10: memref<16x768xf32, #tpu.memory_space<vmem>>, %arg11: memref<!tpu.dma_semaphore, #tpu.memory_space<semaphore_mem>>, %arg12: memref<!tpu.dma_semaphore, #tpu.memory_space<semaphore_mem>>) attributes {dimension_semantics = [#tpu.dimension_semantics<core_parallel>, #tpu.dimension_semantics<subcore_parallel>], iteration_bounds = array<i64: 2, 16>, scalar_prefetch = 0 : i64, scratch_operands = 7 : i64, tpu.core_type = #tpu.core_type<sc_vector_subcore>, window_params = [{transform_indices = #map}, {transform_indices = #map}, {transform_indices = #map}, {transform_indices = #map}]} {
    %mul3A = arith.constant 2 : i32
    %mul3A_0 = arith.muli %arg1, %mul3A : i32
    %add3A = arith.addi %mul3A_0, %arg0 : i32
    %mul3A_1 = arith.constant 16 : i32
    %mul3A_2 = arith.muli %add3A, %mul3A_1 : i32
    %run_scoped3A = arith.constant 0 : i32
    "tpu.region"() ({
      %run_scoped3A_125 = tpu.sem_alloc : memref<!tpu.dma_semaphore, #tpu.memory_space<semaphore_mem>>
      %dma_start3A_126 = tpu.memref_slice %arg2[%run_scoped3A, %mul3A_2] : memref<2x512xi32, #tpu.memory_space<hbm>> -> memref<1x16xi32, #tpu.memory_space<hbm>>
      %dma_start3A_127 = tpu.memref_squeeze %dma_start3A_126 : memref<1x16xi32, #tpu.memory_space<hbm>> -> memref<16xi32, #tpu.memory_space<hbm>>
      %dma_start3A_128 = tpu.memref_slice %arg2[%run_scoped3A, %mul3A_2] : memref<2x512xi32, #tpu.memory_space<hbm>> -> memref<1x16xi32, #tpu.memory_space<hbm>>
      %dma_start3A_129 = tpu.memref_squeeze %dma_start3A_128 : memref<1x16xi32, #tpu.memory_space<hbm>> -> memref<16xi32, #tpu.memory_space<hbm>>
      tpu.enqueue_dma source(%dma_start3A_129 : memref<16xi32, #tpu.memory_space<hbm>>) target(%arg6 : memref<16xi32, #tpu.memory_space<vmem>>) target_semaphore(%run_scoped3A_125 : memref<!tpu.dma_semaphore, #tpu.memory_space<semaphore_mem>>)
      %dma_wait3A_130 = tpu.memref_slice %arg2[%run_scoped3A, %mul3A_2] : memref<2x512xi32, #tpu.memory_space<hbm>> -> memref<1x16xi32, #tpu.memory_space<hbm>>
      %dma_wait3A_131 = tpu.memref_squeeze %dma_wait3A_130 : memref<1x16xi32, #tpu.memory_space<hbm>> -> memref<16xi32, #tpu.memory_space<hbm>>
      %dma_wait3A_132 = tpu.memref_slice %arg2[%run_scoped3A, %mul3A_2] : memref<2x512xi32, #tpu.memory_space<hbm>> -> memref<1x16xi32, #tpu.memory_space<hbm>>
      %dma_wait3A_133 = tpu.memref_squeeze %dma_wait3A_132 : memref<1x16xi32, #tpu.memory_space<hbm>> -> memref<16xi32, #tpu.memory_space<hbm>>
      tpu.wait_dma2 semaphore(%run_scoped3A_125 : memref<!tpu.dma_semaphore, #tpu.memory_space<semaphore_mem>>) src(%dma_wait3A_133 : memref<16xi32, #tpu.memory_space<hbm>>) dst(%arg6 : memref<16xi32, #tpu.memory_space<vmem>>)
      tpu.yield
    }) : () -> ()
    %run_scoped3A_3 = arith.constant 1 : i32
    "tpu.region"() ({
      %run_scoped3A_125 = tpu.sem_alloc : memref<!tpu.dma_semaphore, #tpu.memory_space<semaphore_mem>>
      %dma_start3A_126 = tpu.memref_slice %arg2[%run_scoped3A_3, %mul3A_2] : memref<2x512xi32, #tpu.memory_space<hbm>> -> memref<1x16xi32, #tpu.memory_space<hbm>>
      %dma_start3A_127 = tpu.memref_squeeze %dma_start3A_126 : memref<1x16xi32, #tpu.memory_space<hbm>> -> memref<16xi32, #tpu.memory_space<hbm>>
      %dma_start3A_128 = tpu.memref_slice %arg2[%run_scoped3A_3, %mul3A_2] : memref<2x512xi32, #tpu.memory_space<hbm>> -> memref<1x16xi32, #tpu.memory_space<hbm>>
      %dma_start3A_129 = tpu.memref_squeeze %dma_start3A_128 : memref<1x16xi32, #tpu.memory_space<hbm>> -> memref<16xi32, #tpu.memory_space<hbm>>
      tpu.enqueue_dma source(%dma_start3A_129 : memref<16xi32, #tpu.memory_space<hbm>>) target(%arg7 : memref<16xi32, #tpu.memory_space<vmem>>) target_semaphore(%run_scoped3A_125 : memref<!tpu.dma_semaphore, #tpu.memory_space<semaphore_mem>>)
      %dma_wait3A_130 = tpu.memref_slice %arg2[%run_scoped3A_3, %mul3A_2] : memref<2x512xi32, #tpu.memory_space<hbm>> -> memref<1x16xi32, #tpu.memory_space<hbm>>
      %dma_wait3A_131 = tpu.memref_squeeze %dma_wait3A_130 : memref<1x16xi32, #tpu.memory_space<hbm>> -> memref<16xi32, #tpu.memory_space<hbm>>
      %dma_wait3A_132 = tpu.memref_slice %arg2[%run_scoped3A_3, %mul3A_2] : memref<2x512xi32, #tpu.memory_space<hbm>> -> memref<1x16xi32, #tpu.memory_space<hbm>>
      %dma_wait3A_133 = tpu.memref_squeeze %dma_wait3A_132 : memref<1x16xi32, #tpu.memory_space<hbm>> -> memref<16xi32, #tpu.memory_space<hbm>>
      tpu.wait_dma2 semaphore(%run_scoped3A_125 : memref<!tpu.dma_semaphore, #tpu.memory_space<semaphore_mem>>) src(%dma_wait3A_133 : memref<16xi32, #tpu.memory_space<hbm>>) dst(%arg7 : memref<16xi32, #tpu.memory_space<vmem>>)
      tpu.yield
    }) : () -> ()
    %dma_start3A = arith.constant 0 : i32
    %dma_start3A_4 = arith.constant 0 : i32
    %dma_start3A_5 = tpu.memref_slice %arg3[%dma_start3A, %dma_start3A_4] : memref<3072x768xf32, #tpu.memory_space<hbm>> -> memref<3072x768xf32, #tpu.memory_space<hbm>>
    tpu.enqueue_indirect_dma source(%dma_start3A_5 : memref<3072x768xf32, #tpu.memory_space<hbm>>) target(%arg8 : memref<16x768xf32, #tpu.memory_space<vmem>>) offsets(%arg6 : memref<16xi32, #tpu.memory_space<vmem>>) semaphore(%arg11 : memref<!tpu.dma_semaphore, #tpu.memory_space<semaphore_mem>>)
    %dma_start3A_6 = arith.constant 0 : i32
    %dma_start3A_7 = arith.constant 0 : i32
    %dma_start3A_8 = tpu.memref_slice %arg3[%dma_start3A_6, %dma_start3A_7] : memref<3072x768xf32, #tpu.memory_space<hbm>> -> memref<3072x768xf32, #tpu.memory_space<hbm>>
    tpu.enqueue_indirect_dma source(%dma_start3A_8 : memref<3072x768xf32, #tpu.memory_space<hbm>>) target(%arg9 : memref<16x768xf32, #tpu.memory_space<vmem>>) offsets(%arg7 : memref<16xi32, #tpu.memory_space<vmem>>) semaphore(%arg12 : memref<!tpu.dma_semaphore, #tpu.memory_space<semaphore_mem>>)
    "tpu.region"() ({
      %run_scoped3A_125 = tpu.sem_alloc : memref<!tpu.dma_semaphore, #tpu.memory_space<semaphore_mem>>
      %dma_start3A_126 = arith.constant 0 : i32
      %dma_start3A_127 = tpu.memref_slice %arg4[%mul3A_2, %dma_start3A_126] : memref<512x768xf32, #tpu.memory_space<hbm>> -> memref<16x768xf32, #tpu.memory_space<hbm>>
      %dma_start3A_128 = arith.constant 0 : i32
      %dma_start3A_129 = tpu.memref_slice %arg4[%mul3A_2, %dma_start3A_128] : memref<512x768xf32, #tpu.memory_space<hbm>> -> memref<16x768xf32, #tpu.memory_space<hbm>>
      tpu.enqueue_dma source(%dma_start3A_129 : memref<16x768xf32, #tpu.memory_space<hbm>>) target(%arg10 : memref<16x768xf32, #tpu.memory_space<vmem>>) target_semaphore(%run_scoped3A_125 : memref<!tpu.dma_semaphore, #tpu.memory_space<semaphore_mem>>)
      %dma_wait3A_130 = arith.constant 0 : i32
      %dma_wait3A_131 = tpu.memref_slice %arg4[%mul3A_2, %dma_wait3A_130] : memref<512x768xf32, #tpu.memory_space<hbm>> -> memref<16x768xf32, #tpu.memory_space<hbm>>
      %dma_wait3A_132 = arith.constant 0 : i32
      %dma_wait3A_133 = tpu.memref_slice %arg4[%mul3A_2, %dma_wait3A_132] : memref<512x768xf32, #tpu.memory_space<hbm>> -> memref<16x768xf32, #tpu.memory_space<hbm>>
      tpu.wait_dma2 semaphore(%run_scoped3A_125 : memref<!tpu.dma_semaphore, #tpu.memory_space<semaphore_mem>>) src(%dma_wait3A_133 : memref<16x768xf32, #tpu.memory_space<hbm>>) dst(%arg10 : memref<16x768xf32, #tpu.memory_space<vmem>>)
      tpu.yield
    }) : () -> ()
    %dma_wait3A = arith.constant 0 : i32
    %dma_wait3A_9 = arith.constant 0 : i32
    %dma_wait3A_10 = tpu.memref_slice %arg3[%dma_wait3A, %dma_wait3A_9] : memref<3072x768xf32, #tpu.memory_space<hbm>> -> memref<3072x768xf32, #tpu.memory_space<hbm>>
    tpu.wait_indirect_dma semaphore(%arg11 : memref<!tpu.dma_semaphore, #tpu.memory_space<semaphore_mem>>) src(%dma_wait3A_10 : memref<3072x768xf32, #tpu.memory_space<hbm>>) dst(%arg8 : memref<16x768xf32, #tpu.memory_space<vmem>>)
    %dma_wait3A_11 = arith.constant 0 : i32
    %dma_wait3A_12 = arith.constant 0 : i32
    %dma_wait3A_13 = tpu.memref_slice %arg3[%dma_wait3A_11, %dma_wait3A_12] : memref<3072x768xf32, #tpu.memory_space<hbm>> -> memref<3072x768xf32, #tpu.memory_space<hbm>>
    tpu.wait_indirect_dma semaphore(%arg12 : memref<!tpu.dma_semaphore, #tpu.memory_space<semaphore_mem>>) src(%dma_wait3A_13 : memref<3072x768xf32, #tpu.memory_space<hbm>>) dst(%arg9 : memref<16x768xf32, #tpu.memory_space<vmem>>)
    %scan3A = arith.constant 0 : i32
    %scan3A_14 = arith.constant 0 : i32
    %scan3A_15 = arith.constant 48 : i32
    %scan3A_16 = arith.addi %scan3A_14, %scan3A_15 : i32
    %scan3A_17 = arith.constant 1 : i32
    %scan3A_18 = scf.for %scan3A_125 = %scan3A_14 to %scan3A_16 step %scan3A_17 iter_args(%scan3A_126 = %scan3A) -> (i32)  : i32 {
      %mul3A_127 = arith.constant 16 : i32
      %mul3A_128 = arith.muli %scan3A_125, %mul3A_127 : i32
      %get3A = arith.constant 0 : i32
      %get3A_129 = arith.index_cast %get3A : i32 to index
      %get3A_130 = arith.index_cast %mul3A_128 : i32 to index
      %get3A_131 = tpu.vector_load %arg10[%get3A_129, %get3A_130] {strides = array<i32>} : memref<16x768xf32, #tpu.memory_space<vmem>>, vector<1x16xf32>,
      %get3A_132 = vector.shape_cast %get3A_131 : vector<1x16xf32> to vector<16xf32>
      %mul3A_133 = arith.constant 16 : i32
      %mul3A_134 = arith.muli %scan3A_125, %mul3A_133 : i32
      %get3A_135 = arith.constant 0 : i32
      %get3A_136 = arith.index_cast %get3A_135 : i32 to index
      %get3A_137 = arith.index_cast %mul3A_134 : i32 to index
      %get3A_138 = tpu.vector_load %arg8[%get3A_136, %get3A_137] {strides = array<i32>} : memref<16x768xf32, #tpu.memory_space<vmem>>, vector<1x16xf32>,
      %get3A_139 = vector.shape_cast %get3A_138 : vector<1x16xf32> to vector<16xf32>
      %add3A_140 = arith.addf %get3A_132, %get3A_139 : vector<16xf32>
      %mul3A_141 = arith.constant 16 : i32
      %mul3A_142 = arith.muli %scan3A_125, %mul3A_141 : i32
      %get3A_143 = arith.constant 0 : i32
      %get3A_144 = arith.index_cast %get3A_143 : i32 to index
      %get3A_145 = arith.index_cast %mul3A_142 : i32 to index
      %get3A_146 = tpu.vector_load %arg9[%get3A_144, %get3A_145] {strides = array<i32>} : memref<16x768xf32, #tpu.memory_space<vmem>>, vector<1x16xf32>,
      %get3A_147 = vector.shape_cast %get3A_146 : vector<1x16xf32> to vector<16xf32>
      %add3A_148 = arith.addf %add3A_140, %get3A_147 : vector<16xf32>
      %mul3A_149 = arith.constant 16 : i32
      %mul3A_150 = arith.muli %scan3A_125, %mul3A_149 : i32
      %swap3A = arith.constant 0 : i32
      %swap3A_151 = arith.index_cast %swap3A : i32 to index
      %swap3A_152 = arith.index_cast %mul3A_150 : i32 to index
      %swap3A_153 = tpu.vector_load %arg10[%swap3A_151, %swap3A_152] {strides = array<i32>} : memref<16x768xf32, #tpu.memory_space<vmem>>, vector<1x16xf32>,
      %swap3A_154 = vector.shape_cast %swap3A_153 : vector<1x16xf32> to vector<16xf32>
      %swap3A_155 = vector.shape_cast %add3A_148 : vector<16xf32> to vector<1x16xf32>
      tpu.vector_store %arg10[%swap3A_151, %swap3A_152], %swap3A_155 {strides = array<i32>} : memref<16x768xf32, #tpu.memory_space<vmem>>, vector<1x16xf32>,
      %scan3A_156 = arith.constant 0 : i32
      scf.yield %scan3A_156 : i32
    }
    %scan3A_19 = arith.constant 48 : i32
    %scan3A_20 = arith.constant 0 : i32
    %scan3A_21 = arith.constant 0 : i32
    %scan3A_22 = arith.constant 48 : i32
    %scan3A_23 = arith.addi %scan3A_21, %scan3A_22 : i32
    %scan3A_24 = arith.constant 1 : i32
    %scan3A_25 = scf.for %scan3A_125 = %scan3A_21 to %scan3A_23 step %scan3A_24 iter_args(%scan3A_126 = %scan3A_20) -> (i32)  : i32 {
      %mul3A_127 = arith.constant 16 : i32
      %mul3A_128 = arith.muli %scan3A_125, %mul3A_127 : i32
      %get3A = arith.constant 1 : i32
      %get3A_129 = arith.index_cast %get3A : i32 to index
      %get3A_130 = arith.index_cast %mul3A_128 : i32 to index
      %get3A_131 = tpu.vector_load %arg10[%get3A_129, %get3A_130] {strides = array<i32>} : memref<16x768xf32, #tpu.memory_space<vmem>>, vector<1x16xf32>,
      %get3A_132 = vector.shape_cast %get3A_131 : vector<1x16xf32> to vector<16xf32>
      %mul3A_133 = arith.constant 16 : i32
      %mul3A_134 = arith.muli %scan3A_125, %mul3A_133 : i32
      %get3A_135 = arith.constant 1 : i32
      %get3A_136 = arith.index_cast %get3A_135 : i32 to index
      %get3A_137 = arith.index_cast %mul3A_134 : i32 to index
      %get3A_138 = tpu.vector_load %arg8[%get3A_136, %get3A_137] {strides = array<i32>} : memref<16x768xf32, #tpu.memory_space<vmem>>, vector<1x16xf32>,
      %get3A_139 = vector.shape_cast %get3A_138 : vector<1x16xf32> to vector<16xf32>
      %add3A_140 = arith.addf %get3A_132, %get3A_139 : vector<16xf32>
      %mul3A_141 = arith.constant 16 : i32
      %mul3A_142 = arith.muli %scan3A_125, %mul3A_141 : i32
      %get3A_143 = arith.constant 1 : i32
      %get3A_144 = arith.index_cast %get3A_143 : i32 to index
      %get3A_145 = arith.index_cast %mul3A_142 : i32 to index
      %get3A_146 = tpu.vector_load %arg9[%get3A_144, %get3A_145] {strides = array<i32>} : memref<16x768xf32, #tpu.memory_space<vmem>>, vector<1x16xf32>,
      %get3A_147 = vector.shape_cast %get3A_146 : vector<1x16xf32> to vector<16xf32>
      %add3A_148 = arith.addf %add3A_140, %get3A_147 : vector<16xf32>
      %mul3A_149 = arith.constant 16 : i32
      %mul3A_150 = arith.muli %scan3A_125, %mul3A_149 : i32
      %swap3A = arith.constant 1 : i32
      %swap3A_151 = arith.index_cast %swap3A : i32 to index
      %swap3A_152 = arith.index_cast %mul3A_150 : i32 to index
      %swap3A_153 = tpu.vector_load %arg10[%swap3A_151, %swap3A_152] {strides = array<i32>} : memref<16x768xf32, #tpu.memory_space<vmem>>, vector<1x16xf32>,
      %swap3A_154 = vector.shape_cast %swap3A_153 : vector<1x16xf32> to vector<16xf32>
      %swap3A_155 = vector.shape_cast %add3A_148 : vector<16xf32> to vector<1x16xf32>
      tpu.vector_store %arg10[%swap3A_151, %swap3A_152], %swap3A_155 {strides = array<i32>} : memref<16x768xf32, #tpu.memory_space<vmem>>, vector<1x16xf32>,
      %scan3A_156 = arith.constant 0 : i32
      scf.yield %scan3A_156 : i32
    }
    %scan3A_26 = arith.constant 48 : i32
    %scan3A_27 = arith.constant 0 : i32
    %scan3A_28 = arith.constant 0 : i32
    %scan3A_29 = arith.constant 48 : i32
    %scan3A_30 = arith.addi %scan3A_28, %scan3A_29 : i32
    %scan3A_31 = arith.constant 1 : i32
    %scan3A_32 = scf.for %scan3A_125 = %scan3A_28 to %scan3A_30 step %scan3A_31 iter_args(%scan3A_126 = %scan3A_27) -> (i32)  : i32 {
      %mul3A_127 = arith.constant 16 : i32
      %mul3A_128 = arith.muli %scan3A_125, %mul3A_127 : i32
      %get3A = arith.constant 2 : i32
      %get3A_129 = arith.index_cast %get3A : i32 to index
      %get3A_130 = arith.index_cast %mul3A_128 : i32 to index
      %get3A_131 = tpu.vector_load %arg10[%get3A_129, %get3A_130] {strides = array<i32>} : memref<16x768xf32, #tpu.memory_space<vmem>>, vector<1x16xf32>,
      %get3A_132 = vector.shape_cast %get3A_131 : vector<1x16xf32> to vector<16xf32>
      %mul3A_133 = arith.constant 16 : i32
      %mul3A_134 = arith.muli %scan3A_125, %mul3A_133 : i32
      %get3A_135 = arith.constant 2 : i32
      %get3A_136 = arith.index_cast %get3A_135 : i32 to index
      %get3A_137 = arith.index_cast %mul3A_134 : i32 to index
      %get3A_138 = tpu.vector_load %arg8[%get3A_136, %get3A_137] {strides = array<i32>} : memref<16x768xf32, #tpu.memory_space<vmem>>, vector<1x16xf32>,
      %get3A_139 = vector.shape_cast %get3A_138 : vector<1x16xf32> to vector<16xf32>
      %add3A_140 = arith.addf %get3A_132, %get3A_139 : vector<16xf32>
      %mul3A_141 = arith.constant 16 : i32
      %mul3A_142 = arith.muli %scan3A_125, %mul3A_141 : i32
      %get3A_143 = arith.constant 2 : i32
      %get3A_144 = arith.index_cast %get3A_143 : i32 to index
      %get3A_145 = arith.index_cast %mul3A_142 : i32 to index
      %get3A_146 = tpu.vector_load %arg9[%get3A_144, %get3A_145] {strides = array<i32>} : memref<16x768xf32, #tpu.memory_space<vmem>>, vector<1x16xf32>,
      %get3A_147 = vector.shape_cast %get3A_146 : vector<1x16xf32> to vector<16xf32>
      %add3A_148 = arith.addf %add3A_140, %get3A_147 : vector<16xf32>
      %mul3A_149 = arith.constant 16 : i32
      %mul3A_150 = arith.muli %scan3A_125, %mul3A_149 : i32
      %swap3A = arith.constant 2 : i32
      %swap3A_151 = arith.index_cast %swap3A : i32 to index
      %swap3A_152 = arith.index_cast %mul3A_150 : i32 to index
      %swap3A_153 = tpu.vector_load %arg10[%swap3A_151, %swap3A_152] {strides = array<i32>} : memref<16x768xf32, #tpu.memory_space<vmem>>, vector<1x16xf32>,
      %swap3A_154 = vector.shape_cast %swap3A_153 : vector<1x16xf32> to vector<16xf32>
      %swap3A_155 = vector.shape_cast %add3A_148 : vector<16xf32> to vector<1x16xf32>
      tpu.vector_store %arg10[%swap3A_151, %swap3A_152], %swap3A_155 {strides = array<i32>} : memref<16x768xf32, #tpu.memory_space<vmem>>, vector<1x16xf32>,
      %scan3A_156 = arith.constant 0 : i32
      scf.yield %scan3A_156 : i32
    }
    %scan3A_33 = arith.constant 48 : i32
    %scan3A_34 = arith.constant 0 : i32
    %scan3A_35 = arith.constant 0 : i32
    %scan3A_36 = arith.constant 48 : i32
    %scan3A_37 = arith.addi %scan3A_35, %scan3A_36 : i32
    %scan3A_38 = arith.constant 1 : i32
    %scan3A_39 = scf.for %scan3A_125 = %scan3A_35 to %scan3A_37 step %scan3A_38 iter_args(%scan3A_126 = %scan3A_34) -> (i32)  : i32 {
      %mul3A_127 = arith.constant 16 : i32
      %mul3A_128 = arith.muli %scan3A_125, %mul3A_127 : i32
      %get3A = arith.constant 3 : i32
      %get3A_129 = arith.index_cast %get3A : i32 to index
      %get3A_130 = arith.index_cast %mul3A_128 : i32 to index
      %get3A_131 = tpu.vector_load %arg10[%get3A_129, %get3A_130] {strides = array<i32>} : memref<16x768xf32, #tpu.memory_space<vmem>>, vector<1x16xf32>,
      %get3A_132 = vector.shape_cast %get3A_131 : vector<1x16xf32> to vector<16xf32>
      %mul3A_133 = arith.constant 16 : i32
      %mul3A_134 = arith.muli %scan3A_125, %mul3A_133 : i32
      %get3A_135 = arith.constant 3 : i32
      %get3A_136 = arith.index_cast %get3A_135 : i32 to index
      %get3A_137 = arith.index_cast %mul3A_134 : i32 to index
      %get3A_138 = tpu.vector_load %arg8[%get3A_136, %get3A_137] {strides = array<i32>} : memref<16x768xf32, #tpu.memory_space<vmem>>, vector<1x16xf32>,
      %get3A_139 = vector.shape_cast %get3A_138 : vector<1x16xf32> to vector<16xf32>
      %add3A_140 = arith.addf %get3A_132, %get3A_139 : vector<16xf32>
      %mul3A_141 = arith.constant 16 : i32
      %mul3A_142 = arith.muli %scan3A_125, %mul3A_141 : i32
      %get3A_143 = arith.constant 3 : i32
      %get3A_144 = arith.index_cast %get3A_143 : i32 to index
      %get3A_145 = arith.index_cast %mul3A_142 : i32 to index
      %get3A_146 = tpu.vector_load %arg9[%get3A_144, %get3A_145] {strides = array<i32>} : memref<16x768xf32, #tpu.memory_space<vmem>>, vector<1x16xf32>,
      %get3A_147 = vector.shape_cast %get3A_146 : vector<1x16xf32> to vector<16xf32>
      %add3A_148 = arith.addf %add3A_140, %get3A_147 : vector<16xf32>
      %mul3A_149 = arith.constant 16 : i32
      %mul3A_150 = arith.muli %scan3A_125, %mul3A_149 : i32
      %swap3A = arith.constant 3 : i32
      %swap3A_151 = arith.index_cast %swap3A : i32 to index
      %swap3A_152 = arith.index_cast %mul3A_150 : i32 to index
      %swap3A_153 = tpu.vector_load %arg10[%swap3A_151, %swap3A_152] {strides = array<i32>} : memref<16x768xf32, #tpu.memory_space<vmem>>, vector<1x16xf32>,
      %swap3A_154 = vector.shape_cast %swap3A_153 : vector<1x16xf32> to vector<16xf32>
      %swap3A_155 = vector.shape_cast %add3A_148 : vector<16xf32> to vector<1x16xf32>
      tpu.vector_store %arg10[%swap3A_151, %swap3A_152], %swap3A_155 {strides = array<i32>} : memref<16x768xf32, #tpu.memory_space<vmem>>, vector<1x16xf32>,
      %scan3A_156 = arith.constant 0 : i32
      scf.yield %scan3A_156 : i32
    }
    %scan3A_40 = arith.constant 48 : i32
    %scan3A_41 = arith.constant 0 : i32
    %scan3A_42 = arith.constant 0 : i32
    %scan3A_43 = arith.constant 48 : i32
    %scan3A_44 = arith.addi %scan3A_42, %scan3A_43 : i32
    %scan3A_45 = arith.constant 1 : i32
    %scan3A_46 = scf.for %scan3A_125 = %scan3A_42 to %scan3A_44 step %scan3A_45 iter_args(%scan3A_126 = %scan3A_41) -> (i32)  : i32 {
      %mul3A_127 = arith.constant 16 : i32
      %mul3A_128 = arith.muli %scan3A_125, %mul3A_127 : i32
      %get3A = arith.constant 4 : i32
      %get3A_129 = arith.index_cast %get3A : i32 to index
      %get3A_130 = arith.index_cast %mul3A_128 : i32 to index
      %get3A_131 = tpu.vector_load %arg10[%get3A_129, %get3A_130] {strides = array<i32>} : memref<16x768xf32, #tpu.memory_space<vmem>>, vector<1x16xf32>,
      %get3A_132 = vector.shape_cast %get3A_131 : vector<1x16xf32> to vector<16xf32>
      %mul3A_133 = arith.constant 16 : i32
      %mul3A_134 = arith.muli %scan3A_125, %mul3A_133 : i32
      %get3A_135 = arith.constant 4 : i32
      %get3A_136 = arith.index_cast %get3A_135 : i32 to index
      %get3A_137 = arith.index_cast %mul3A_134 : i32 to index
      %get3A_138 = tpu.vector_load %arg8[%get3A_136, %get3A_137] {strides = array<i32>} : memref<16x768xf32, #tpu.memory_space<vmem>>, vector<1x16xf32>,
      %get3A_139 = vector.shape_cast %get3A_138 : vector<1x16xf32> to vector<16xf32>
      %add3A_140 = arith.addf %get3A_132, %get3A_139 : vector<16xf32>
      %mul3A_141 = arith.constant 16 : i32
      %mul3A_142 = arith.muli %scan3A_125, %mul3A_141 : i32
      %get3A_143 = arith.constant 4 : i32
      %get3A_144 = arith.index_cast %get3A_143 : i32 to index
      %get3A_145 = arith.index_cast %mul3A_142 : i32 to index
      %get3A_146 = tpu.vector_load %arg9[%get3A_144, %get3A_145] {strides = array<i32>} : memref<16x768xf32, #tpu.memory_space<vmem>>, vector<1x16xf32>,
      %get3A_147 = vector.shape_cast %get3A_146 : vector<1x16xf32> to vector<16xf32>
      %add3A_148 = arith.addf %add3A_140, %get3A_147 : vector<16xf32>
      %mul3A_149 = arith.constant 16 : i32
      %mul3A_150 = arith.muli %scan3A_125, %mul3A_149 : i32
      %swap3A = arith.constant 4 : i32
      %swap3A_151 = arith.index_cast %swap3A : i32 to index
      %swap3A_152 = arith.index_cast %mul3A_150 : i32 to index
      %swap3A_153 = tpu.vector_load %arg10[%swap3A_151, %swap3A_152] {strides = array<i32>} : memref<16x768xf32, #tpu.memory_space<vmem>>, vector<1x16xf32>,
      %swap3A_154 = vector.shape_cast %swap3A_153 : vector<1x16xf32> to vector<16xf32>
      %swap3A_155 = vector.shape_cast %add3A_148 : vector<16xf32> to vector<1x16xf32>
      tpu.vector_store %arg10[%swap3A_151, %swap3A_152], %swap3A_155 {strides = array<i32>} : memref<16x768xf32, #tpu.memory_space<vmem>>, vector<1x16xf32>,
      %scan3A_156 = arith.constant 0 : i32
      scf.yield %scan3A_156 : i32
    }
    %scan3A_47 = arith.constant 48 : i32
    %scan3A_48 = arith.constant 0 : i32
    %scan3A_49 = arith.constant 0 : i32
    %scan3A_50 = arith.constant 48 : i32
    %scan3A_51 = arith.addi %scan3A_49, %scan3A_50 : i32
    %scan3A_52 = arith.constant 1 : i32
    %scan3A_53 = scf.for %scan3A_125 = %scan3A_49 to %scan3A_51 step %scan3A_52 iter_args(%scan3A_126 = %scan3A_48) -> (i32)  : i32 {
      %mul3A_127 = arith.constant 16 : i32
      %mul3A_128 = arith.muli %scan3A_125, %mul3A_127 : i32
      %get3A = arith.constant 5 : i32
      %get3A_129 = arith.index_cast %get3A : i32 to index
      %get3A_130 = arith.index_cast %mul3A_128 : i32 to index
      %get3A_131 = tpu.vector_load %arg10[%get3A_129, %get3A_130] {strides = array<i32>} : memref<16x768xf32, #tpu.memory_space<vmem>>, vector<1x16xf32>,
      %get3A_132 = vector.shape_cast %get3A_131 : vector<1x16xf32> to vector<16xf32>
      %mul3A_133 = arith.constant 16 : i32
      %mul3A_134 = arith.muli %scan3A_125, %mul3A_133 : i32
      %get3A_135 = arith.constant 5 : i32
      %get3A_136 = arith.index_cast %get3A_135 : i32 to index
      %get3A_137 = arith.index_cast %mul3A_134 : i32 to index
      %get3A_138 = tpu.vector_load %arg8[%get3A_136, %get3A_137] {strides = array<i32>} : memref<16x768xf32, #tpu.memory_space<vmem>>, vector<1x16xf32>,
      %get3A_139 = vector.shape_cast %get3A_138 : vector<1x16xf32> to vector<16xf32>
      %add3A_140 = arith.addf %get3A_132, %get3A_139 : vector<16xf32>
      %mul3A_141 = arith.constant 16 : i32
      %mul3A_142 = arith.muli %scan3A_125, %mul3A_141 : i32
      %get3A_143 = arith.constant 5 : i32
      %get3A_144 = arith.index_cast %get3A_143 : i32 to index
      %get3A_145 = arith.index_cast %mul3A_142 : i32 to index
      %get3A_146 = tpu.vector_load %arg9[%get3A_144, %get3A_145] {strides = array<i32>} : memref<16x768xf32, #tpu.memory_space<vmem>>, vector<1x16xf32>,
      %get3A_147 = vector.shape_cast %get3A_146 : vector<1x16xf32> to vector<16xf32>
      %add3A_148 = arith.addf %add3A_140, %get3A_147 : vector<16xf32>
      %mul3A_149 = arith.constant 16 : i32
      %mul3A_150 = arith.muli %scan3A_125, %mul3A_149 : i32
      %swap3A = arith.constant 5 : i32
      %swap3A_151 = arith.index_cast %swap3A : i32 to index
      %swap3A_152 = arith.index_cast %mul3A_150 : i32 to index
      %swap3A_153 = tpu.vector_load %arg10[%swap3A_151, %swap3A_152] {strides = array<i32>} : memref<16x768xf32, #tpu.memory_space<vmem>>, vector<1x16xf32>,
      %swap3A_154 = vector.shape_cast %swap3A_153 : vector<1x16xf32> to vector<16xf32>
      %swap3A_155 = vector.shape_cast %add3A_148 : vector<16xf32> to vector<1x16xf32>
      tpu.vector_store %arg10[%swap3A_151, %swap3A_152], %swap3A_155 {strides = array<i32>} : memref<16x768xf32, #tpu.memory_space<vmem>>, vector<1x16xf32>,
      %scan3A_156 = arith.constant 0 : i32
      scf.yield %scan3A_156 : i32
    }
    %scan3A_54 = arith.constant 48 : i32
    %scan3A_55 = arith.constant 0 : i32
    %scan3A_56 = arith.constant 0 : i32
    %scan3A_57 = arith.constant 48 : i32
    %scan3A_58 = arith.addi %scan3A_56, %scan3A_57 : i32
    %scan3A_59 = arith.constant 1 : i32
    %scan3A_60 = scf.for %scan3A_125 = %scan3A_56 to %scan3A_58 step %scan3A_59 iter_args(%scan3A_126 = %scan3A_55) -> (i32)  : i32 {
      %mul3A_127 = arith.constant 16 : i32
      %mul3A_128 = arith.muli %scan3A_125, %mul3A_127 : i32
      %get3A = arith.constant 6 : i32
      %get3A_129 = arith.index_cast %get3A : i32 to index
      %get3A_130 = arith.index_cast %mul3A_128 : i32 to index
      %get3A_131 = tpu.vector_load %arg10[%get3A_129, %get3A_130] {strides = array<i32>} : memref<16x768xf32, #tpu.memory_space<vmem>>, vector<1x16xf32>,
      %get3A_132 = vector.shape_cast %get3A_131 : vector<1x16xf32> to vector<16xf32>
      %mul3A_133 = arith.constant 16 : i32
      %mul3A_134 = arith.muli %scan3A_125, %mul3A_133 : i32
      %get3A_135 = arith.constant 6 : i32
      %get3A_136 = arith.index_cast %get3A_135 : i32 to index
      %get3A_137 = arith.index_cast %mul3A_134 : i32 to index
      %get3A_138 = tpu.vector_load %arg8[%get3A_136, %get3A_137] {strides = array<i32>} : memref<16x768xf32, #tpu.memory_space<vmem>>, vector<1x16xf32>,
      %get3A_139 = vector.shape_cast %get3A_138 : vector<1x16xf32> to vector<16xf32>
      %add3A_140 = arith.addf %get3A_132, %get3A_139 : vector<16xf32>
      %mul3A_141 = arith.constant 16 : i32
      %mul3A_142 = arith.muli %scan3A_125, %mul3A_141 : i32
      %get3A_143 = arith.constant 6 : i32
      %get3A_144 = arith.index_cast %get3A_143 : i32 to index
      %get3A_145 = arith.index_cast %mul3A_142 : i32 to index
      %get3A_146 = tpu.vector_load %arg9[%get3A_144, %get3A_145] {strides = array<i32>} : memref<16x768xf32, #tpu.memory_space<vmem>>, vector<1x16xf32>,
      %get3A_147 = vector.shape_cast %get3A_146 : vector<1x16xf32> to vector<16xf32>
      %add3A_148 = arith.addf %add3A_140, %get3A_147 : vector<16xf32>
      %mul3A_149 = arith.constant 16 : i32
      %mul3A_150 = arith.muli %scan3A_125, %mul3A_149 : i32
      %swap3A = arith.constant 6 : i32
      %swap3A_151 = arith.index_cast %swap3A : i32 to index
      %swap3A_152 = arith.index_cast %mul3A_150 : i32 to index
      %swap3A_153 = tpu.vector_load %arg10[%swap3A_151, %swap3A_152] {strides = array<i32>} : memref<16x768xf32, #tpu.memory_space<vmem>>, vector<1x16xf32>,
      %swap3A_154 = vector.shape_cast %swap3A_153 : vector<1x16xf32> to vector<16xf32>
      %swap3A_155 = vector.shape_cast %add3A_148 : vector<16xf32> to vector<1x16xf32>
      tpu.vector_store %arg10[%swap3A_151, %swap3A_152], %swap3A_155 {strides = array<i32>} : memref<16x768xf32, #tpu.memory_space<vmem>>, vector<1x16xf32>,
      %scan3A_156 = arith.constant 0 : i32
      scf.yield %scan3A_156 : i32
    }
    %scan3A_61 = arith.constant 48 : i32
    %scan3A_62 = arith.constant 0 : i32
    %scan3A_63 = arith.constant 0 : i32
    %scan3A_64 = arith.constant 48 : i32
    %scan3A_65 = arith.addi %scan3A_63, %scan3A_64 : i32
    %scan3A_66 = arith.constant 1 : i32
    %scan3A_67 = scf.for %scan3A_125 = %scan3A_63 to %scan3A_65 step %scan3A_66 iter_args(%scan3A_126 = %scan3A_62) -> (i32)  : i32 {
      %mul3A_127 = arith.constant 16 : i32
      %mul3A_128 = arith.muli %scan3A_125, %mul3A_127 : i32
      %get3A = arith.constant 7 : i32
      %get3A_129 = arith.index_cast %get3A : i32 to index
      %get3A_130 = arith.index_cast %mul3A_128 : i32 to index
      %get3A_131 = tpu.vector_load %arg10[%get3A_129, %get3A_130] {strides = array<i32>} : memref<16x768xf32, #tpu.memory_space<vmem>>, vector<1x16xf32>,
      %get3A_132 = vector.shape_cast %get3A_131 : vector<1x16xf32> to vector<16xf32>
      %mul3A_133 = arith.constant 16 : i32
      %mul3A_134 = arith.muli %scan3A_125, %mul3A_133 : i32
      %get3A_135 = arith.constant 7 : i32
      %get3A_136 = arith.index_cast %get3A_135 : i32 to index
      %get3A_137 = arith.index_cast %mul3A_134 : i32 to index
      %get3A_138 = tpu.vector_load %arg8[%get3A_136, %get3A_137] {strides = array<i32>} : memref<16x768xf32, #tpu.memory_space<vmem>>, vector<1x16xf32>,
      %get3A_139 = vector.shape_cast %get3A_138 : vector<1x16xf32> to vector<16xf32>
      %add3A_140 = arith.addf %get3A_132, %get3A_139 : vector<16xf32>
      %mul3A_141 = arith.constant 16 : i32
      %mul3A_142 = arith.muli %scan3A_125, %mul3A_141 : i32
      %get3A_143 = arith.constant 7 : i32
      %get3A_144 = arith.index_cast %get3A_143 : i32 to index
      %get3A_145 = arith.index_cast %mul3A_142 : i32 to index
      %get3A_146 = tpu.vector_load %arg9[%get3A_144, %get3A_145] {strides = array<i32>} : memref<16x768xf32, #tpu.memory_space<vmem>>, vector<1x16xf32>,
      %get3A_147 = vector.shape_cast %get3A_146 : vector<1x16xf32> to vector<16xf32>
      %add3A_148 = arith.addf %add3A_140, %get3A_147 : vector<16xf32>
      %mul3A_149 = arith.constant 16 : i32
      %mul3A_150 = arith.muli %scan3A_125, %mul3A_149 : i32
      %swap3A = arith.constant 7 : i32
      %swap3A_151 = arith.index_cast %swap3A : i32 to index
      %swap3A_152 = arith.index_cast %mul3A_150 : i32 to index
      %swap3A_153 = tpu.vector_load %arg10[%swap3A_151, %swap3A_152] {strides = array<i32>} : memref<16x768xf32, #tpu.memory_space<vmem>>, vector<1x16xf32>,
      %swap3A_154 = vector.shape_cast %swap3A_153 : vector<1x16xf32> to vector<16xf32>
      %swap3A_155 = vector.shape_cast %add3A_148 : vector<16xf32> to vector<1x16xf32>
      tpu.vector_store %arg10[%swap3A_151, %swap3A_152], %swap3A_155 {strides = array<i32>} : memref<16x768xf32, #tpu.memory_space<vmem>>, vector<1x16xf32>,
      %scan3A_156 = arith.constant 0 : i32
      scf.yield %scan3A_156 : i32
    }
    %scan3A_68 = arith.constant 48 : i32
    %scan3A_69 = arith.constant 0 : i32
    %scan3A_70 = arith.constant 0 : i32
    %scan3A_71 = arith.constant 48 : i32
    %scan3A_72 = arith.addi %scan3A_70, %scan3A_71 : i32
    %scan3A_73 = arith.constant 1 : i32
    %scan3A_74 = scf.for %scan3A_125 = %scan3A_70 to %scan3A_72 step %scan3A_73 iter_args(%scan3A_126 = %scan3A_69) -> (i32)  : i32 {
      %mul3A_127 = arith.constant 16 : i32
      %mul3A_128 = arith.muli %scan3A_125, %mul3A_127 : i32
      %get3A = arith.constant 8 : i32
      %get3A_129 = arith.index_cast %get3A : i32 to index
      %get3A_130 = arith.index_cast %mul3A_128 : i32 to index
      %get3A_131 = tpu.vector_load %arg10[%get3A_129, %get3A_130] {strides = array<i32>} : memref<16x768xf32, #tpu.memory_space<vmem>>, vector<1x16xf32>,
      %get3A_132 = vector.shape_cast %get3A_131 : vector<1x16xf32> to vector<16xf32>
      %mul3A_133 = arith.constant 16 : i32
      %mul3A_134 = arith.muli %scan3A_125, %mul3A_133 : i32
      %get3A_135 = arith.constant 8 : i32
      %get3A_136 = arith.index_cast %get3A_135 : i32 to index
      %get3A_137 = arith.index_cast %mul3A_134 : i32 to index
      %get3A_138 = tpu.vector_load %arg8[%get3A_136, %get3A_137] {strides = array<i32>} : memref<16x768xf32, #tpu.memory_space<vmem>>, vector<1x16xf32>,
      %get3A_139 = vector.shape_cast %get3A_138 : vector<1x16xf32> to vector<16xf32>
      %add3A_140 = arith.addf %get3A_132, %get3A_139 : vector<16xf32>
      %mul3A_141 = arith.constant 16 : i32
      %mul3A_142 = arith.muli %scan3A_125, %mul3A_141 : i32
      %get3A_143 = arith.constant 8 : i32
      %get3A_144 = arith.index_cast %get3A_143 : i32 to index
      %get3A_145 = arith.index_cast %mul3A_142 : i32 to index
      %get3A_146 = tpu.vector_load %arg9[%get3A_144, %get3A_145] {strides = array<i32>} : memref<16x768xf32, #tpu.memory_space<vmem>>, vector<1x16xf32>,
      %get3A_147 = vector.shape_cast %get3A_146 : vector<1x16xf32> to vector<16xf32>
      %add3A_148 = arith.addf %add3A_140, %get3A_147 : vector<16xf32>
      %mul3A_149 = arith.constant 16 : i32
      %mul3A_150 = arith.muli %scan3A_125, %mul3A_149 : i32
      %swap3A = arith.constant 8 : i32
      %swap3A_151 = arith.index_cast %swap3A : i32 to index
      %swap3A_152 = arith.index_cast %mul3A_150 : i32 to index
      %swap3A_153 = tpu.vector_load %arg10[%swap3A_151, %swap3A_152] {strides = array<i32>} : memref<16x768xf32, #tpu.memory_space<vmem>>, vector<1x16xf32>,
      %swap3A_154 = vector.shape_cast %swap3A_153 : vector<1x16xf32> to vector<16xf32>
      %swap3A_155 = vector.shape_cast %add3A_148 : vector<16xf32> to vector<1x16xf32>
      tpu.vector_store %arg10[%swap3A_151, %swap3A_152], %swap3A_155 {strides = array<i32>} : memref<16x768xf32, #tpu.memory_space<vmem>>, vector<1x16xf32>,
      %scan3A_156 = arith.constant 0 : i32
      scf.yield %scan3A_156 : i32
    }
    %scan3A_75 = arith.constant 48 : i32
    %scan3A_76 = arith.constant 0 : i32
    %scan3A_77 = arith.constant 0 : i32
    %scan3A_78 = arith.constant 48 : i32
    %scan3A_79 = arith.addi %scan3A_77, %scan3A_78 : i32
    %scan3A_80 = arith.constant 1 : i32
    %scan3A_81 = scf.for %scan3A_125 = %scan3A_77 to %scan3A_79 step %scan3A_80 iter_args(%scan3A_126 = %scan3A_76) -> (i32)  : i32 {
      %mul3A_127 = arith.constant 16 : i32
      %mul3A_128 = arith.muli %scan3A_125, %mul3A_127 : i32
      %get3A = arith.constant 9 : i32
      %get3A_129 = arith.index_cast %get3A : i32 to index
      %get3A_130 = arith.index_cast %mul3A_128 : i32 to index
      %get3A_131 = tpu.vector_load %arg10[%get3A_129, %get3A_130] {strides = array<i32>} : memref<16x768xf32, #tpu.memory_space<vmem>>, vector<1x16xf32>,
      %get3A_132 = vector.shape_cast %get3A_131 : vector<1x16xf32> to vector<16xf32>
      %mul3A_133 = arith.constant 16 : i32
      %mul3A_134 = arith.muli %scan3A_125, %mul3A_133 : i32
      %get3A_135 = arith.constant 9 : i32
      %get3A_136 = arith.index_cast %get3A_135 : i32 to index
      %get3A_137 = arith.index_cast %mul3A_134 : i32 to index
      %get3A_138 = tpu.vector_load %arg8[%get3A_136, %get3A_137] {strides = array<i32>} : memref<16x768xf32, #tpu.memory_space<vmem>>, vector<1x16xf32>,
      %get3A_139 = vector.shape_cast %get3A_138 : vector<1x16xf32> to vector<16xf32>
      %add3A_140 = arith.addf %get3A_132, %get3A_139 : vector<16xf32>
      %mul3A_141 = arith.constant 16 : i32
      %mul3A_142 = arith.muli %scan3A_125, %mul3A_141 : i32
      %get3A_143 = arith.constant 9 : i32
      %get3A_144 = arith.index_cast %get3A_143 : i32 to index
      %get3A_145 = arith.index_cast %mul3A_142 : i32 to index
      %get3A_146 = tpu.vector_load %arg9[%get3A_144, %get3A_145] {strides = array<i32>} : memref<16x768xf32, #tpu.memory_space<vmem>>, vector<1x16xf32>,
      %get3A_147 = vector.shape_cast %get3A_146 : vector<1x16xf32> to vector<16xf32>
      %add3A_148 = arith.addf %add3A_140, %get3A_147 : vector<16xf32>
      %mul3A_149 = arith.constant 16 : i32
      %mul3A_150 = arith.muli %scan3A_125, %mul3A_149 : i32
      %swap3A = arith.constant 9 : i32
      %swap3A_151 = arith.index_cast %swap3A : i32 to index
      %swap3A_152 = arith.index_cast %mul3A_150 : i32 to index
      %swap3A_153 = tpu.vector_load %arg10[%swap3A_151, %swap3A_152] {strides = array<i32>} : memref<16x768xf32, #tpu.memory_space<vmem>>, vector<1x16xf32>,
      %swap3A_154 = vector.shape_cast %swap3A_153 : vector<1x16xf32> to vector<16xf32>
      %swap3A_155 = vector.shape_cast %add3A_148 : vector<16xf32> to vector<1x16xf32>
      tpu.vector_store %arg10[%swap3A_151, %swap3A_152], %swap3A_155 {strides = array<i32>} : memref<16x768xf32, #tpu.memory_space<vmem>>, vector<1x16xf32>,
      %scan3A_156 = arith.constant 0 : i32
      scf.yield %scan3A_156 : i32
    }
    %scan3A_82 = arith.constant 48 : i32
    %scan3A_83 = arith.constant 0 : i32
    %scan3A_84 = arith.constant 0 : i32
    %scan3A_85 = arith.constant 48 : i32
    %scan3A_86 = arith.addi %scan3A_84, %scan3A_85 : i32
    %scan3A_87 = arith.constant 1 : i32
    %scan3A_88 = scf.for %scan3A_125 = %scan3A_84 to %scan3A_86 step %scan3A_87 iter_args(%scan3A_126 = %scan3A_83) -> (i32)  : i32 {
      %mul3A_127 = arith.constant 16 : i32
      %mul3A_128 = arith.muli %scan3A_125, %mul3A_127 : i32
      %get3A = arith.constant 10 : i32
      %get3A_129 = arith.index_cast %get3A : i32 to index
      %get3A_130 = arith.index_cast %mul3A_128 : i32 to index
      %get3A_131 = tpu.vector_load %arg10[%get3A_129, %get3A_130] {strides = array<i32>} : memref<16x768xf32, #tpu.memory_space<vmem>>, vector<1x16xf32>,
      %get3A_132 = vector.shape_cast %get3A_131 : vector<1x16xf32> to vector<16xf32>
      %mul3A_133 = arith.constant 16 : i32
      %mul3A_134 = arith.muli %scan3A_125, %mul3A_133 : i32
      %get3A_135 = arith.constant 10 : i32
      %get3A_136 = arith.index_cast %get3A_135 : i32 to index
      %get3A_137 = arith.index_cast %mul3A_134 : i32 to index
      %get3A_138 = tpu.vector_load %arg8[%get3A_136, %get3A_137] {strides = array<i32>} : memref<16x768xf32, #tpu.memory_space<vmem>>, vector<1x16xf32>,
      %get3A_139 = vector.shape_cast %get3A_138 : vector<1x16xf32> to vector<16xf32>
      %add3A_140 = arith.addf %get3A_132, %get3A_139 : vector<16xf32>
      %mul3A_141 = arith.constant 16 : i32
      %mul3A_142 = arith.muli %scan3A_125, %mul3A_141 : i32
      %get3A_143 = arith.constant 10 : i32
      %get3A_144 = arith.index_cast %get3A_143 : i32 to index
      %get3A_145 = arith.index_cast %mul3A_142 : i32 to index
      %get3A_146 = tpu.vector_load %arg9[%get3A_144, %get3A_145] {strides = array<i32>} : memref<16x768xf32, #tpu.memory_space<vmem>>, vector<1x16xf32>,
      %get3A_147 = vector.shape_cast %get3A_146 : vector<1x16xf32> to vector<16xf32>
      %add3A_148 = arith.addf %add3A_140, %get3A_147 : vector<16xf32>
      %mul3A_149 = arith.constant 16 : i32
      %mul3A_150 = arith.muli %scan3A_125, %mul3A_149 : i32
      %swap3A = arith.constant 10 : i32
      %swap3A_151 = arith.index_cast %swap3A : i32 to index
      %swap3A_152 = arith.index_cast %mul3A_150 : i32 to index
      %swap3A_153 = tpu.vector_load %arg10[%swap3A_151, %swap3A_152] {strides = array<i32>} : memref<16x768xf32, #tpu.memory_space<vmem>>, vector<1x16xf32>,
      %swap3A_154 = vector.shape_cast %swap3A_153 : vector<1x16xf32> to vector<16xf32>
      %swap3A_155 = vector.shape_cast %add3A_148 : vector<16xf32> to vector<1x16xf32>
      tpu.vector_store %arg10[%swap3A_151, %swap3A_152], %swap3A_155 {strides = array<i32>} : memref<16x768xf32, #tpu.memory_space<vmem>>, vector<1x16xf32>,
      %scan3A_156 = arith.constant 0 : i32
      scf.yield %scan3A_156 : i32
    }
    %scan3A_89 = arith.constant 48 : i32
    %scan3A_90 = arith.constant 0 : i32
    %scan3A_91 = arith.constant 0 : i32
    %scan3A_92 = arith.constant 48 : i32
    %scan3A_93 = arith.addi %scan3A_91, %scan3A_92 : i32
    %scan3A_94 = arith.constant 1 : i32
    %scan3A_95 = scf.for %scan3A_125 = %scan3A_91 to %scan3A_93 step %scan3A_94 iter_args(%scan3A_126 = %scan3A_90) -> (i32)  : i32 {
      %mul3A_127 = arith.constant 16 : i32
      %mul3A_128 = arith.muli %scan3A_125, %mul3A_127 : i32
      %get3A = arith.constant 11 : i32
      %get3A_129 = arith.index_cast %get3A : i32 to index
      %get3A_130 = arith.index_cast %mul3A_128 : i32 to index
      %get3A_131 = tpu.vector_load %arg10[%get3A_129, %get3A_130] {strides = array<i32>} : memref<16x768xf32, #tpu.memory_space<vmem>>, vector<1x16xf32>,
      %get3A_132 = vector.shape_cast %get3A_131 : vector<1x16xf32> to vector<16xf32>
      %mul3A_133 = arith.constant 16 : i32
      %mul3A_134 = arith.muli %scan3A_125, %mul3A_133 : i32
      %get3A_135 = arith.constant 11 : i32
      %get3A_136 = arith.index_cast %get3A_135 : i32 to index
      %get3A_137 = arith.index_cast %mul3A_134 : i32 to index
      %get3A_138 = tpu.vector_load %arg8[%get3A_136, %get3A_137] {strides = array<i32>} : memref<16x768xf32, #tpu.memory_space<vmem>>, vector<1x16xf32>,
      %get3A_139 = vector.shape_cast %get3A_138 : vector<1x16xf32> to vector<16xf32>
      %add3A_140 = arith.addf %get3A_132, %get3A_139 : vector<16xf32>
      %mul3A_141 = arith.constant 16 : i32
      %mul3A_142 = arith.muli %scan3A_125, %mul3A_141 : i32
      %get3A_143 = arith.constant 11 : i32
      %get3A_144 = arith.index_cast %get3A_143 : i32 to index
      %get3A_145 = arith.index_cast %mul3A_142 : i32 to index
      %get3A_146 = tpu.vector_load %arg9[%get3A_144, %get3A_145] {strides = array<i32>} : memref<16x768xf32, #tpu.memory_space<vmem>>, vector<1x16xf32>,
      %get3A_147 = vector.shape_cast %get3A_146 : vector<1x16xf32> to vector<16xf32>
      %add3A_148 = arith.addf %add3A_140, %get3A_147 : vector<16xf32>
      %mul3A_149 = arith.constant 16 : i32
      %mul3A_150 = arith.muli %scan3A_125, %mul3A_149 : i32
      %swap3A = arith.constant 11 : i32
      %swap3A_151 = arith.index_cast %swap3A : i32 to index
      %swap3A_152 = arith.index_cast %mul3A_150 : i32 to index
      %swap3A_153 = tpu.vector_load %arg10[%swap3A_151, %swap3A_152] {strides = array<i32>} : memref<16x768xf32, #tpu.memory_space<vmem>>, vector<1x16xf32>,
      %swap3A_154 = vector.shape_cast %swap3A_153 : vector<1x16xf32> to vector<16xf32>
      %swap3A_155 = vector.shape_cast %add3A_148 : vector<16xf32> to vector<1x16xf32>
      tpu.vector_store %arg10[%swap3A_151, %swap3A_152], %swap3A_155 {strides = array<i32>} : memref<16x768xf32, #tpu.memory_space<vmem>>, vector<1x16xf32>,
      %scan3A_156 = arith.constant 0 : i32
      scf.yield %scan3A_156 : i32
    }
    %scan3A_96 = arith.constant 48 : i32
    %scan3A_97 = arith.constant 0 : i32
    %scan3A_98 = arith.constant 0 : i32
    %scan3A_99 = arith.constant 48 : i32
    %scan3A_100 = arith.addi %scan3A_98, %scan3A_99 : i32
    %scan3A_101 = arith.constant 1 : i32
    %scan3A_102 = scf.for %scan3A_125 = %scan3A_98 to %scan3A_100 step %scan3A_101 iter_args(%scan3A_126 = %scan3A_97) -> (i32)  : i32 {
      %mul3A_127 = arith.constant 16 : i32
      %mul3A_128 = arith.muli %scan3A_125, %mul3A_127 : i32
      %get3A = arith.constant 12 : i32
      %get3A_129 = arith.index_cast %get3A : i32 to index
      %get3A_130 = arith.index_cast %mul3A_128 : i32 to index
      %get3A_131 = tpu.vector_load %arg10[%get3A_129, %get3A_130] {strides = array<i32>} : memref<16x768xf32, #tpu.memory_space<vmem>>, vector<1x16xf32>,
      %get3A_132 = vector.shape_cast %get3A_131 : vector<1x16xf32> to vector<16xf32>
      %mul3A_133 = arith.constant 16 : i32
      %mul3A_134 = arith.muli %scan3A_125, %mul3A_133 : i32
      %get3A_135 = arith.constant 12 : i32
      %get3A_136 = arith.index_cast %get3A_135 : i32 to index
      %get3A_137 = arith.index_cast %mul3A_134 : i32 to index
      %get3A_138 = tpu.vector_load %arg8[%get3A_136, %get3A_137] {strides = array<i32>} : memref<16x768xf32, #tpu.memory_space<vmem>>, vector<1x16xf32>,
      %get3A_139 = vector.shape_cast %get3A_138 : vector<1x16xf32> to vector<16xf32>
      %add3A_140 = arith.addf %get3A_132, %get3A_139 : vector<16xf32>
      %mul3A_141 = arith.constant 16 : i32
      %mul3A_142 = arith.muli %scan3A_125, %mul3A_141 : i32
      %get3A_143 = arith.constant 12 : i32
      %get3A_144 = arith.index_cast %get3A_143 : i32 to index
      %get3A_145 = arith.index_cast %mul3A_142 : i32 to index
      %get3A_146 = tpu.vector_load %arg9[%get3A_144, %get3A_145] {strides = array<i32>} : memref<16x768xf32, #tpu.memory_space<vmem>>, vector<1x16xf32>,
      %get3A_147 = vector.shape_cast %get3A_146 : vector<1x16xf32> to vector<16xf32>
      %add3A_148 = arith.addf %add3A_140, %get3A_147 : vector<16xf32>
      %mul3A_149 = arith.constant 16 : i32
      %mul3A_150 = arith.muli %scan3A_125, %mul3A_149 : i32
      %swap3A = arith.constant 12 : i32
      %swap3A_151 = arith.index_cast %swap3A : i32 to index
      %swap3A_152 = arith.index_cast %mul3A_150 : i32 to index
      %swap3A_153 = tpu.vector_load %arg10[%swap3A_151, %swap3A_152] {strides = array<i32>} : memref<16x768xf32, #tpu.memory_space<vmem>>, vector<1x16xf32>,
      %swap3A_154 = vector.shape_cast %swap3A_153 : vector<1x16xf32> to vector<16xf32>
      %swap3A_155 = vector.shape_cast %add3A_148 : vector<16xf32> to vector<1x16xf32>
      tpu.vector_store %arg10[%swap3A_151, %swap3A_152], %swap3A_155 {strides = array<i32>} : memref<16x768xf32, #tpu.memory_space<vmem>>, vector<1x16xf32>,
      %scan3A_156 = arith.constant 0 : i32
      scf.yield %scan3A_156 : i32
    }
    %scan3A_103 = arith.constant 48 : i32
    %scan3A_104 = arith.constant 0 : i32
    %scan3A_105 = arith.constant 0 : i32
    %scan3A_106 = arith.constant 48 : i32
    %scan3A_107 = arith.addi %scan3A_105, %scan3A_106 : i32
    %scan3A_108 = arith.constant 1 : i32
    %scan3A_109 = scf.for %scan3A_125 = %scan3A_105 to %scan3A_107 step %scan3A_108 iter_args(%scan3A_126 = %scan3A_104) -> (i32)  : i32 {
      %mul3A_127 = arith.constant 16 : i32
      %mul3A_128 = arith.muli %scan3A_125, %mul3A_127 : i32
      %get3A = arith.constant 13 : i32
      %get3A_129 = arith.index_cast %get3A : i32 to index
      %get3A_130 = arith.index_cast %mul3A_128 : i32 to index
      %get3A_131 = tpu.vector_load %arg10[%get3A_129, %get3A_130] {strides = array<i32>} : memref<16x768xf32, #tpu.memory_space<vmem>>, vector<1x16xf32>,
      %get3A_132 = vector.shape_cast %get3A_131 : vector<1x16xf32> to vector<16xf32>
      %mul3A_133 = arith.constant 16 : i32
      %mul3A_134 = arith.muli %scan3A_125, %mul3A_133 : i32
      %get3A_135 = arith.constant 13 : i32
      %get3A_136 = arith.index_cast %get3A_135 : i32 to index
      %get3A_137 = arith.index_cast %mul3A_134 : i32 to index
      %get3A_138 = tpu.vector_load %arg8[%get3A_136, %get3A_137] {strides = array<i32>} : memref<16x768xf32, #tpu.memory_space<vmem>>, vector<1x16xf32>,
      %get3A_139 = vector.shape_cast %get3A_138 : vector<1x16xf32> to vector<16xf32>
      %add3A_140 = arith.addf %get3A_132, %get3A_139 : vector<16xf32>
      %mul3A_141 = arith.constant 16 : i32
      %mul3A_142 = arith.muli %scan3A_125, %mul3A_141 : i32
      %get3A_143 = arith.constant 13 : i32
      %get3A_144 = arith.index_cast %get3A_143 : i32 to index
      %get3A_145 = arith.index_cast %mul3A_142 : i32 to index
      %get3A_146 = tpu.vector_load %arg9[%get3A_144, %get3A_145] {strides = array<i32>} : memref<16x768xf32, #tpu.memory_space<vmem>>, vector<1x16xf32>,
      %get3A_147 = vector.shape_cast %get3A_146 : vector<1x16xf32> to vector<16xf32>
      %add3A_148 = arith.addf %add3A_140, %get3A_147 : vector<16xf32>
      %mul3A_149 = arith.constant 16 : i32
      %mul3A_150 = arith.muli %scan3A_125, %mul3A_149 : i32
      %swap3A = arith.constant 13 : i32
      %swap3A_151 = arith.index_cast %swap3A : i32 to index
      %swap3A_152 = arith.index_cast %mul3A_150 : i32 to index
      %swap3A_153 = tpu.vector_load %arg10[%swap3A_151, %swap3A_152] {strides = array<i32>} : memref<16x768xf32, #tpu.memory_space<vmem>>, vector<1x16xf32>,
      %swap3A_154 = vector.shape_cast %swap3A_153 : vector<1x16xf32> to vector<16xf32>
      %swap3A_155 = vector.shape_cast %add3A_148 : vector<16xf32> to vector<1x16xf32>
      tpu.vector_store %arg10[%swap3A_151, %swap3A_152], %swap3A_155 {strides = array<i32>} : memref<16x768xf32, #tpu.memory_space<vmem>>, vector<1x16xf32>,
      %scan3A_156 = arith.constant 0 : i32
      scf.yield %scan3A_156 : i32
    }
    %scan3A_110 = arith.constant 48 : i32
    %scan3A_111 = arith.constant 0 : i32
    %scan3A_112 = arith.constant 0 : i32
    %scan3A_113 = arith.constant 48 : i32
    %scan3A_114 = arith.addi %scan3A_112, %scan3A_113 : i32
    %scan3A_115 = arith.constant 1 : i32
    %scan3A_116 = scf.for %scan3A_125 = %scan3A_112 to %scan3A_114 step %scan3A_115 iter_args(%scan3A_126 = %scan3A_111) -> (i32)  : i32 {
      %mul3A_127 = arith.constant 16 : i32
      %mul3A_128 = arith.muli %scan3A_125, %mul3A_127 : i32
      %get3A = arith.constant 14 : i32
      %get3A_129 = arith.index_cast %get3A : i32 to index
      %get3A_130 = arith.index_cast %mul3A_128 : i32 to index
      %get3A_131 = tpu.vector_load %arg10[%get3A_129, %get3A_130] {strides = array<i32>} : memref<16x768xf32, #tpu.memory_space<vmem>>, vector<1x16xf32>,
      %get3A_132 = vector.shape_cast %get3A_131 : vector<1x16xf32> to vector<16xf32>
      %mul3A_133 = arith.constant 16 : i32
      %mul3A_134 = arith.muli %scan3A_125, %mul3A_133 : i32
      %get3A_135 = arith.constant 14 : i32
      %get3A_136 = arith.index_cast %get3A_135 : i32 to index
      %get3A_137 = arith.index_cast %mul3A_134 : i32 to index
      %get3A_138 = tpu.vector_load %arg8[%get3A_136, %get3A_137] {strides = array<i32>} : memref<16x768xf32, #tpu.memory_space<vmem>>, vector<1x16xf32>,
      %get3A_139 = vector.shape_cast %get3A_138 : vector<1x16xf32> to vector<16xf32>
      %add3A_140 = arith.addf %get3A_132, %get3A_139 : vector<16xf32>
      %mul3A_141 = arith.constant 16 : i32
      %mul3A_142 = arith.muli %scan3A_125, %mul3A_141 : i32
      %get3A_143 = arith.constant 14 : i32
      %get3A_144 = arith.index_cast %get3A_143 : i32 to index
      %get3A_145 = arith.index_cast %mul3A_142 : i32 to index
      %get3A_146 = tpu.vector_load %arg9[%get3A_144, %get3A_145] {strides = array<i32>} : memref<16x768xf32, #tpu.memory_space<vmem>>, vector<1x16xf32>,
      %get3A_147 = vector.shape_cast %get3A_146 : vector<1x16xf32> to vector<16xf32>
      %add3A_148 = arith.addf %add3A_140, %get3A_147 : vector<16xf32>
      %mul3A_149 = arith.constant 16 : i32
      %mul3A_150 = arith.muli %scan3A_125, %mul3A_149 : i32
      %swap3A = arith.constant 14 : i32
      %swap3A_151 = arith.index_cast %swap3A : i32 to index
      %swap3A_152 = arith.index_cast %mul3A_150 : i32 to index
      %swap3A_153 = tpu.vector_load %arg10[%swap3A_151, %swap3A_152] {strides = array<i32>} : memref<16x768xf32, #tpu.memory_space<vmem>>, vector<1x16xf32>,
      %swap3A_154 = vector.shape_cast %swap3A_153 : vector<1x16xf32> to vector<16xf32>
      %swap3A_155 = vector.shape_cast %add3A_148 : vector<16xf32> to vector<1x16xf32>
      tpu.vector_store %arg10[%swap3A_151, %swap3A_152], %swap3A_155 {strides = array<i32>} : memref<16x768xf32, #tpu.memory_space<vmem>>, vector<1x16xf32>,
      %scan3A_156 = arith.constant 0 : i32
      scf.yield %scan3A_156 : i32
    }
    %scan3A_117 = arith.constant 48 : i32
    %scan3A_118 = arith.constant 0 : i32
    %scan3A_119 = arith.constant 0 : i32
    %scan3A_120 = arith.constant 48 : i32
    %scan3A_121 = arith.addi %scan3A_119, %scan3A_120 : i32
    %scan3A_122 = arith.constant 1 : i32
    %scan3A_123 = scf.for %scan3A_125 = %scan3A_119 to %scan3A_121 step %scan3A_122 iter_args(%scan3A_126 = %scan3A_118) -> (i32)  : i32 {
      %mul3A_127 = arith.constant 16 : i32
      %mul3A_128 = arith.muli %scan3A_125, %mul3A_127 : i32
      %get3A = arith.constant 15 : i32
      %get3A_129 = arith.index_cast %get3A : i32 to index
      %get3A_130 = arith.index_cast %mul3A_128 : i32 to index
      %get3A_131 = tpu.vector_load %arg10[%get3A_129, %get3A_130] {strides = array<i32>} : memref<16x768xf32, #tpu.memory_space<vmem>>, vector<1x16xf32>,
      %get3A_132 = vector.shape_cast %get3A_131 : vector<1x16xf32> to vector<16xf32>
      %mul3A_133 = arith.constant 16 : i32
      %mul3A_134 = arith.muli %scan3A_125, %mul3A_133 : i32
      %get3A_135 = arith.constant 15 : i32
      %get3A_136 = arith.index_cast %get3A_135 : i32 to index
      %get3A_137 = arith.index_cast %mul3A_134 : i32 to index
      %get3A_138 = tpu.vector_load %arg8[%get3A_136, %get3A_137] {strides = array<i32>} : memref<16x768xf32, #tpu.memory_space<vmem>>, vector<1x16xf32>,
      %get3A_139 = vector.shape_cast %get3A_138 : vector<1x16xf32> to vector<16xf32>
      %add3A_140 = arith.addf %get3A_132, %get3A_139 : vector<16xf32>
      %mul3A_141 = arith.constant 16 : i32
      %mul3A_142 = arith.muli %scan3A_125, %mul3A_141 : i32
      %get3A_143 = arith.constant 15 : i32
      %get3A_144 = arith.index_cast %get3A_143 : i32 to index
      %get3A_145 = arith.index_cast %mul3A_142 : i32 to index
      %get3A_146 = tpu.vector_load %arg9[%get3A_144, %get3A_145] {strides = array<i32>} : memref<16x768xf32, #tpu.memory_space<vmem>>, vector<1x16xf32>,
      %get3A_147 = vector.shape_cast %get3A_146 : vector<1x16xf32> to vector<16xf32>
      %add3A_148 = arith.addf %add3A_140, %get3A_147 : vector<16xf32>
      %mul3A_149 = arith.constant 16 : i32
      %mul3A_150 = arith.muli %scan3A_125, %mul3A_149 : i32
      %swap3A = arith.constant 15 : i32
      %swap3A_151 = arith.index_cast %swap3A : i32 to index
      %swap3A_152 = arith.index_cast %mul3A_150 : i32 to index
      %swap3A_153 = tpu.vector_load %arg10[%swap3A_151, %swap3A_152] {strides = array<i32>} : memref<16x768xf32, #tpu.memory_space<vmem>>, vector<1x16xf32>,
      %swap3A_154 = vector.shape_cast %swap3A_153 : vector<1x16xf32> to vector<16xf32>
      %swap3A_155 = vector.shape_cast %add3A_148 : vector<16xf32> to vector<1x16xf32>
      tpu.vector_store %arg10[%swap3A_151, %swap3A_152], %swap3A_155 {strides = array<i32>} : memref<16x768xf32, #tpu.memory_space<vmem>>, vector<1x16xf32>,
      %scan3A_156 = arith.constant 0 : i32
      scf.yield %scan3A_156 : i32
    }
    %scan3A_124 = arith.constant 48 : i32
    "tpu.region"() ({
      %run_scoped3A_125 = tpu.sem_alloc : memref<!tpu.dma_semaphore, #tpu.memory_space<semaphore_mem>>
      %dma_start3A_126 = arith.constant 0 : i32
      %dma_start3A_127 = tpu.memref_slice %arg5[%mul3A_2, %dma_start3A_126] : memref<512x768xf32, #tpu.memory_space<hbm>> -> memref<16x768xf32, #tpu.memory_space<hbm>>
      %dma_start3A_128 = arith.constant 0 : i32
      %dma_start3A_129 = tpu.memref_slice %arg5[%mul3A_2, %dma_start3A_128] : memref<512x768xf32, #tpu.memory_space<hbm>> -> memref<16x768xf32, #tpu.memory_space<hbm>>
      tpu.enqueue_dma source(%arg10 : memref<16x768xf32, #tpu.memory_space<vmem>>) target(%dma_start3A_129 : memref<16x768xf32, #tpu.memory_space<hbm>>) target_semaphore(%run_scoped3A_125 : memref<!tpu.dma_semaphore, #tpu.memory_space<semaphore_mem>>)
      %dma_wait3A_130 = arith.constant 0 : i32
      %dma_wait3A_131 = tpu.memref_slice %arg5[%mul3A_2, %dma_wait3A_130] : memref<512x768xf32, #tpu.memory_space<hbm>> -> memref<16x768xf32, #tpu.memory_space<hbm>>
      %dma_wait3A_132 = arith.constant 0 : i32
      %dma_wait3A_133 = tpu.memref_slice %arg5[%mul3A_2, %dma_wait3A_132] : memref<512x768xf32, #tpu.memory_space<hbm>> -> memref<16x768xf32, #tpu.memory_space<hbm>>
      tpu.wait_dma2 semaphore(%run_scoped3A_125 : memref<!tpu.dma_semaphore, #tpu.memory_space<semaphore_mem>>) src(%arg10 : memref<16x768xf32, #tpu.memory_space<vmem>>) dst(%dma_wait3A_133 : memref<16x768xf32, #tpu.memory_space<hbm>>)
      tpu.yield
    }) : () -> ()
    return
  }
}

module attributes {stable_mosaic.version = 14 : i64} {
  func.func @_router_body(%arg0: memref<512x768xf32, #tpu.memory_space<vmem>>, %arg1: memref<64x768xf32, #tpu.memory_space<vmem>>, %arg2: memref<1x64xf32, #tpu.memory_space<vmem>>, %arg3: memref<256x768xf32, #tpu.memory_space<vmem>>, %arg4: memref<256x768xf32, #tpu.memory_space<vmem>>, %arg5: memref<768x256xf32, #tpu.memory_space<vmem>>, %arg6: memref<512x768xf32, #tpu.memory_space<vmem>>, %arg7: memref<2x512xi32, #tpu.memory_space<vmem>>, %arg8: memref<96x1xi32, #tpu.memory_space<vmem>>, %arg9: memref<3072x768xbf16, #tpu.memory_space<vmem>>, %arg10: memref<3072x1xf32, #tpu.memory_space<vmem>>, %arg11: memref<1x1xi32, #tpu.memory_space<vmem>>) attributes {dimension_semantics = [], scalar_prefetch = 0 : i64, scratch_operands = 0 : i64, tpu.core_type = #tpu.core_type<tc>} {
    %get3A = arith.constant 0 : index
    %get3A_0 = arith.constant 0 : index
    %get3A_1 = vector.load %arg0[%get3A, %get3A_0] : memref<512x768xf32, #tpu.memory_space<vmem>>, vector<512x768xf32>
    %get3A_2 = arith.constant 0 : index
    %get3A_3 = arith.constant 0 : index
    %get3A_4 = vector.load %arg1[%get3A_2, %get3A_3] : memref<64x768xf32, #tpu.memory_space<vmem>>, vector<64x768xf32>
    %dot_general3A = arith.constant dense<0.000000e+00> : vector<512x64xf32>
    %dot_general3A_5 = tpu.matmul %get3A_1, %get3A_4, %dot_general3A {dimension_numbers = #tpu.dot_dimension_numbers<[1], [1], [0], [0], [0, 0, 1, 0], [], []>, transpose_lhs_hint = false} : vector<512x768xf32>, vector<64x768xf32>, vector<512x64xf32> -> vector<512x64xf32>
    %get3A_6 = arith.constant 0 : index
    %get3A_7 = arith.constant 0 : index
    %get3A_8 = vector.load %arg2[%get3A_6, %get3A_7] : memref<1x64xf32, #tpu.memory_space<vmem>>, vector<1x64xf32>
    %add3A = vector.broadcast %get3A_8 : vector<1x64xf32> to vector<512x64xf32>
    %add3A_9 = arith.addf %dot_general3A_5, %add3A : vector<512x64xf32>
    %iota3A = tpu.iota {dimensions = array<i32: 1>} : vector<512x64xi32>
    %reduce_max3A = arith.constant dense<0xFF800000> : vector<512xf32>
    %reduce_max3A_10 = vector.multi_reduction <maximumf>, %add3A_9, %reduce_max3A [1] : vector<512x64xf32> to vector<512xf32>
    %broadcast_in_dim3A = vector.shape_cast %reduce_max3A_10 : vector<512xf32> to vector<512x1xf32>
    %eq3A = vector.broadcast %broadcast_in_dim3A : vector<512x1xf32> to vector<512x64xf32>
    %eq3A_11 = arith.cmpf oeq, %add3A_9, %eq3A : vector<512x64xf32>
    %jit3A = arith.constant 64 : i32
    %broadcast_in_dim3A_12 = vector.broadcast %jit3A : i32 to vector<512x64xi32>
    %select_n3A = arith.select %eq3A_11, %iota3A, %broadcast_in_dim3A_12 : vector<512x64xi1>, vector<512x64xi32>
    %reduce_min3A = arith.constant dense<2147483647> : vector<512xi32>
    %reduce_min3A_13 = vector.multi_reduction <minsi>, %select_n3A, %reduce_min3A [1] : vector<512x64xi32> to vector<512xi32>
    %broadcast_in_dim3A_14 = vector.shape_cast %reduce_min3A_13 : vector<512xi32> to vector<512x1xi32>
    %eq3A_15 = vector.broadcast %broadcast_in_dim3A_14 : vector<512x1xi32> to vector<512x64xi32>
    %eq3A_16 = arith.cmpi eq, %iota3A, %eq3A_15 : vector<512x64xi32>
    %jit3A_17 = arith.constant -1.000000e+30 : f32
    %broadcast_in_dim3A_18 = vector.broadcast %jit3A_17 : f32 to vector<512x64xf32>
    %select_n3A_19 = arith.select %eq3A_16, %broadcast_in_dim3A_18, %add3A_9 : vector<512x64xi1>, vector<512x64xf32>
    %reduce_max3A_20 = arith.constant dense<0xFF800000> : vector<512xf32>
    %reduce_max3A_21 = vector.multi_reduction <maximumf>, %select_n3A_19, %reduce_max3A_20 [1] : vector<512x64xf32> to vector<512xf32>
    %broadcast_in_dim3A_22 = vector.shape_cast %reduce_max3A_21 : vector<512xf32> to vector<512x1xf32>
    %eq3A_23 = vector.broadcast %broadcast_in_dim3A_22 : vector<512x1xf32> to vector<512x64xf32>
    %eq3A_24 = arith.cmpf oeq, %select_n3A_19, %eq3A_23 : vector<512x64xf32>
    %jit3A_25 = arith.constant 64 : i32
    %broadcast_in_dim3A_26 = vector.broadcast %jit3A_25 : i32 to vector<512x64xi32>
    %select_n3A_27 = arith.select %eq3A_24, %iota3A, %broadcast_in_dim3A_26 : vector<512x64xi1>, vector<512x64xi32>
    %reduce_min3A_28 = arith.constant dense<2147483647> : vector<512xi32>
    %reduce_min3A_29 = vector.multi_reduction <minsi>, %select_n3A_27, %reduce_min3A_28 [1] : vector<512x64xi32> to vector<512xi32>
    %broadcast_in_dim3A_30 = vector.shape_cast %reduce_min3A_29 : vector<512xi32> to vector<512x1xi32>
    %eq3A_31 = vector.broadcast %broadcast_in_dim3A_30 : vector<512x1xi32> to vector<512x64xi32>
    %eq3A_32 = arith.cmpi eq, %iota3A, %eq3A_31 : vector<512x64xi32>
    %jit3A_33 = arith.constant 0.000000e+00 : f32
    %broadcast_in_dim3A_34 = vector.broadcast %jit3A_33 : f32 to vector<512x64xf32>
    %select_n3A_35 = arith.select %eq3A_16, %dot_general3A_5, %broadcast_in_dim3A_34 : vector<512x64xi1>, vector<512x64xf32>
    %reduce_sum3A = arith.constant dense<0.000000e+00> : vector<512xf32>
    %reduce_sum3A_36 = vector.multi_reduction <add>, %select_n3A_35, %reduce_sum3A [1] : vector<512x64xf32> to vector<512xf32>
    %broadcast_in_dim3A_37 = vector.shape_cast %reduce_sum3A_36 : vector<512xf32> to vector<512x1xf32>
    %jit3A_38 = arith.constant 0.000000e+00 : f32
    %broadcast_in_dim3A_39 = vector.broadcast %jit3A_38 : f32 to vector<512x64xf32>
    %select_n3A_40 = arith.select %eq3A_32, %dot_general3A_5, %broadcast_in_dim3A_39 : vector<512x64xi1>, vector<512x64xf32>
    %reduce_sum3A_41 = arith.constant dense<0.000000e+00> : vector<512xf32>
    %reduce_sum3A_42 = vector.multi_reduction <add>, %select_n3A_40, %reduce_sum3A_41 [1] : vector<512x64xf32> to vector<512xf32>
    %broadcast_in_dim3A_43 = vector.shape_cast %reduce_sum3A_42 : vector<512xf32> to vector<512x1xf32>
    %sub3A = arith.subf %broadcast_in_dim3A_43, %broadcast_in_dim3A_37 : vector<512x1xf32>
    %exp3A = math.exp %sub3A : vector<512x1xf32>
    %add3A_44 = arith.constant 1.000000e+00 : f32
    %add3A_45 = vector.broadcast %add3A_44 : f32 to vector<512x1xf32>
    %add3A_46 = arith.addf %add3A_45, %exp3A : vector<512x1xf32>
    %div3A = arith.constant 1.000000e+00 : f32
    %div3A_47 = vector.broadcast %div3A : f32 to vector<512x1xf32>
    %div3A_48 = arith.divf %div3A_47, %add3A_46 : vector<512x1xf32>
    %sub3A_49 = arith.subf %broadcast_in_dim3A_37, %broadcast_in_dim3A_43 : vector<512x1xf32>
    %exp3A_50 = math.exp %sub3A_49 : vector<512x1xf32>
    %add3A_51 = arith.constant 1.000000e+00 : f32
    %add3A_52 = vector.broadcast %add3A_51 : f32 to vector<512x1xf32>
    %add3A_53 = arith.addf %add3A_52, %exp3A_50 : vector<512x1xf32>
    %div3A_54 = arith.constant 1.000000e+00 : f32
    %div3A_55 = vector.broadcast %div3A_54 : f32 to vector<512x1xf32>
    %div3A_56 = arith.divf %div3A_55, %add3A_53 : vector<512x1xf32>
    %convert_element_type3A = arith.extui %eq3A_16 : vector<512x64xi1> to vector<512x64xi32>
    %convert_element_type3A_57 = arith.sitofp %convert_element_type3A : vector<512x64xi32> to vector<512x64xf32>
    %convert_element_type3A_58 = arith.extui %eq3A_32 : vector<512x64xi1> to vector<512x64xi32>
    %convert_element_type3A_59 = arith.sitofp %convert_element_type3A_58 : vector<512x64xi32> to vector<512x64xf32>
    %add3A_60 = arith.addf %convert_element_type3A_57, %convert_element_type3A_59 : vector<512x64xf32>
    %reduce_sum3A_61 = arith.constant dense<0.000000e+00> : vector<64xf32>
    %reduce_sum3A_62 = vector.multi_reduction <add>, %add3A_60, %reduce_sum3A_61 [0] : vector<512x64xf32> to vector<64xf32>
    %broadcast_in_dim3A_63 = vector.shape_cast %reduce_sum3A_62 : vector<64xf32> to vector<1x64xf32>
    %iota3A_64 = tpu.iota {dimensions = array<i32: 0>} : vector<512x512xi32>
    %iota3A_65 = tpu.iota {dimensions = array<i32: 1>} : vector<512x512xi32>
    %lt3A = arith.cmpi slt, %iota3A_65, %iota3A_64 : vector<512x512xi32>
    %convert_element_type3A_66 = arith.extui %lt3A : vector<512x512xi1> to vector<512x512xi32>
    %convert_element_type3A_67 = arith.sitofp %convert_element_type3A_66 : vector<512x512xi32> to vector<512x512xf32>
    %dot_general3A_68 = arith.constant dense<0.000000e+00> : vector<512x64xf32>
    %dot_general3A_69 = tpu.matmul %convert_element_type3A_67, %add3A_60, %dot_general3A_68 {dimension_numbers = #tpu.dot_dimension_numbers<[1], [0], [0], [1], [0, 0, 1, 1], [], []>, transpose_lhs_hint = false} : vector<512x512xf32>, vector<512x64xf32>, vector<512x64xf32> -> vector<512x64xf32>
    %add3A_70 = arith.constant 3.100000e+01 : f32
    %add3A_71 = vector.broadcast %add3A_70 : f32 to vector<1x64xf32>
    %add3A_72 = arith.addf %broadcast_in_dim3A_63, %add3A_71 : vector<1x64xf32>
    %div3A_73 = arith.constant 3.200000e+01 : f32
    %div3A_74 = vector.broadcast %div3A_73 : f32 to vector<1x64xf32>
    %div3A_75 = arith.divf %add3A_72, %div3A_74 : vector<1x64xf32>
    %floor3A = math.floor %div3A_75 : vector<1x64xf32>
    %mul3A = arith.constant 3.200000e+01 : f32
    %mul3A_76 = vector.broadcast %mul3A : f32 to vector<1x64xf32>
    %mul3A_77 = arith.mulf %floor3A, %mul3A_76 : vector<1x64xf32>
    %iota3A_78 = tpu.iota {dimensions = array<i32: 0>} : vector<64x64xi32>
    %iota3A_79 = tpu.iota {dimensions = array<i32: 1>} : vector<64x64xi32>
    %le3A = arith.cmpi sle, %iota3A_78, %iota3A_79 : vector<64x64xi32>
    %convert_element_type3A_80 = arith.extui %le3A : vector<64x64xi1> to vector<64x64xi32>
    %convert_element_type3A_81 = arith.sitofp %convert_element_type3A_80 : vector<64x64xi32> to vector<64x64xf32>
    %dot_general3A_82 = arith.constant dense<0.000000e+00> : vector<1x64xf32>
    %dot_general3A_83 = tpu.matmul %mul3A_77, %convert_element_type3A_81, %dot_general3A_82 {dimension_numbers = #tpu.dot_dimension_numbers<[1], [0], [0], [1], [0, 0, 1, 1], [], []>, transpose_lhs_hint = false} : vector<1x64xf32>, vector<64x64xf32>, vector<1x64xf32> -> vector<1x64xf32>
    %sub3A_84 = arith.subf %dot_general3A_83, %mul3A_77 : vector<1x64xf32>
    %add3A_85 = vector.broadcast %sub3A_84 : vector<1x64xf32> to vector<512x64xf32>
    %add3A_86 = arith.addf %add3A_85, %dot_general3A_69 : vector<512x64xf32>
    %jit3A_87 = arith.constant 0.000000e+00 : f32
    %broadcast_in_dim3A_88 = vector.broadcast %jit3A_87 : f32 to vector<512x64xf32>
    %select_n3A_89 = arith.select %eq3A_16, %add3A_86, %broadcast_in_dim3A_88 : vector<512x64xi1>, vector<512x64xf32>
    %reduce_sum3A_90 = arith.constant dense<0.000000e+00> : vector<512xf32>
    %reduce_sum3A_91 = vector.multi_reduction <add>, %select_n3A_89, %reduce_sum3A_90 [1] : vector<512x64xf32> to vector<512xf32>
    %broadcast_in_dim3A_92 = vector.shape_cast %reduce_sum3A_91 : vector<512xf32> to vector<512x1xf32>
    %jit3A_93 = arith.constant 0.000000e+00 : f32
    %broadcast_in_dim3A_94 = vector.broadcast %jit3A_93 : f32 to vector<512x64xf32>
    %select_n3A_95 = arith.select %eq3A_32, %add3A_86, %broadcast_in_dim3A_94 : vector<512x64xi1>, vector<512x64xf32>
    %reduce_sum3A_96 = arith.constant dense<0.000000e+00> : vector<512xf32>
    %reduce_sum3A_97 = vector.multi_reduction <add>, %select_n3A_95, %reduce_sum3A_96 [1] : vector<512x64xf32> to vector<512xf32>
    %broadcast_in_dim3A_98 = vector.shape_cast %reduce_sum3A_97 : vector<512xf32> to vector<512x1xf32>
    %convert_element_type3A_99 = arith.fptosi %broadcast_in_dim3A_92 : vector<512x1xf32> to vector<512x1xi32>
    %reshape3A = vector.shape_cast %convert_element_type3A_99 : vector<512x1xi32> to vector<1x512xi32>
    %convert_element_type3A_100 = arith.fptosi %broadcast_in_dim3A_98 : vector<512x1xf32> to vector<512x1xi32>
    %reshape3A_101 = vector.shape_cast %convert_element_type3A_100 : vector<512x1xi32> to vector<1x512xi32>
    %concatenate3A = tpu.concatenate %reshape3A, %reshape3A_101 in 0 : vector<1x512xi32>, vector<1x512xi32> -> vector<2x512xi32>
    %swap3A = arith.constant 0 : index
    %swap3A_102 = arith.constant 0 : index
    %swap3A_103 = vector.load %arg7[%swap3A, %swap3A_102] : memref<2x512xi32, #tpu.memory_space<vmem>>, vector<2x512xi32>
    tpu.vector_store %arg7[%swap3A, %swap3A_102], %concatenate3A {strides = array<i32>} : memref<2x512xi32, #tpu.memory_space<vmem>>, vector<2x512xi32>,
    %iota3A_104 = tpu.iota {dimensions = array<i32: 0>} : vector<96x64xi32>
    %mul3A_105 = arith.constant 32 : i32
    %mul3A_106 = vector.broadcast %mul3A_105 : i32 to vector<96x64xi32>
    %mul3A_107 = arith.muli %iota3A_104, %mul3A_106 : vector<96x64xi32>
    %convert_element_type3A_108 = arith.sitofp %mul3A_107 : vector<96x64xi32> to vector<96x64xf32>
    %broadcast_in_dim3A_109 = vector.shape_cast %dot_general3A_83 : vector<1x64xf32> to vector<1x64xf32>
    %broadcast_in_dim3A_110 = vector.broadcast %broadcast_in_dim3A_109 : vector<1x64xf32> to vector<96x64xf32>
    %le3A_111 = arith.cmpf ole, %broadcast_in_dim3A_110, %convert_element_type3A_108 : vector<96x64xf32>
    %convert_element_type3A_112 = arith.extui %le3A_111 : vector<96x64xi1> to vector<96x64xi32>
    %reduce_sum3A_113 = arith.constant dense<0> : vector<96xi32>
    %reduce_sum3A_114 = vector.multi_reduction <add>, %convert_element_type3A_112, %reduce_sum3A_113 [1] : vector<96x64xi32> to vector<96xi32>
    %broadcast_in_dim3A_115 = vector.shape_cast %reduce_sum3A_114 : vector<96xi32> to vector<96x1xi32>
    %min3A = arith.constant 63 : i32
    %min3A_116 = vector.broadcast %min3A : i32 to vector<96x1xi32>
    %min3A_117 = arith.minsi %broadcast_in_dim3A_115, %min3A_116 : vector<96x1xi32>
    %swap3A_118 = arith.constant 0 : index
    %swap3A_119 = arith.constant 0 : index
    %swap3A_120 = vector.load %arg8[%swap3A_118, %swap3A_119] : memref<96x1xi32, #tpu.memory_space<vmem>>, vector<96x1xi32>
    tpu.vector_store %arg8[%swap3A_118, %swap3A_119], %min3A_117 {strides = array<i32>} : memref<96x1xi32, #tpu.memory_space<vmem>>, vector<96x1xi32>,
    %reduce_sum3A_121 = arith.constant dense<0.000000e+00> : vector<1xf32>
    %reduce_sum3A_122 = vector.multi_reduction <add>, %mul3A_77, %reduce_sum3A_121 [1] : vector<1x64xf32> to vector<1xf32>
    %broadcast_in_dim3A_123 = vector.shape_cast %reduce_sum3A_122 : vector<1xf32> to vector<1x1xf32>
    %div3A_124 = arith.constant 3.200000e+01 : f32
    %div3A_125 = vector.broadcast %div3A_124 : f32 to vector<1x1xf32>
    %div3A_126 = arith.divf %broadcast_in_dim3A_123, %div3A_125 : vector<1x1xf32>
    %convert_element_type3A_127 = arith.fptosi %div3A_126 : vector<1x1xf32> to vector<1x1xi32>
    %swap3A_128 = arith.constant 0 : index
    %swap3A_129 = arith.constant 0 : index
    %swap3A_130 = vector.load %arg11[%swap3A_128, %swap3A_129] : memref<1x1xi32, #tpu.memory_space<vmem>>, vector<1x1xi32>
    tpu.vector_store %arg11[%swap3A_128, %swap3A_129], %convert_element_type3A_127 {strides = array<i32>} : memref<1x1xi32, #tpu.memory_space<vmem>>, vector<1x1xi32>,
    %iota3A_131 = tpu.iota {dimensions = array<i32: 0>} : vector<3072x512xi32>
    %eq3A_132 = vector.broadcast %reshape3A : vector<1x512xi32> to vector<3072x512xi32>
    %eq3A_133 = arith.cmpi eq, %iota3A_131, %eq3A_132 : vector<3072x512xi32>
    %convert_element_type3A_134 = arith.extui %eq3A_133 : vector<3072x512xi1> to vector<3072x512xi32>
    %convert_element_type3A_135 = arith.sitofp %convert_element_type3A_134 : vector<3072x512xi32> to vector<3072x512xf32>
    %convert_element_type3A_136 = arith.truncf %convert_element_type3A_135 : vector<3072x512xf32> to vector<3072x512xbf16>
    %eq3A_137 = vector.broadcast %reshape3A_101 : vector<1x512xi32> to vector<3072x512xi32>
    %eq3A_138 = arith.cmpi eq, %iota3A_131, %eq3A_137 : vector<3072x512xi32>
    %convert_element_type3A_139 = arith.extui %eq3A_138 : vector<3072x512xi1> to vector<3072x512xi32>
    %convert_element_type3A_140 = arith.sitofp %convert_element_type3A_139 : vector<3072x512xi32> to vector<3072x512xf32>
    %convert_element_type3A_141 = arith.truncf %convert_element_type3A_140 : vector<3072x512xf32> to vector<3072x512xbf16>
    %add3A_142 = arith.addf %convert_element_type3A_136, %convert_element_type3A_141 : vector<3072x512xbf16>
    %convert_element_type3A_143 = arith.truncf %get3A_1 : vector<512x768xf32> to vector<512x768xbf16>
    %dot_general3A_144 = arith.constant dense<0.000000e+00> : vector<3072x768xf32>
    %dot_general3A_145 = tpu.matmul %add3A_142, %convert_element_type3A_143, %dot_general3A_144 {dimension_numbers = #tpu.dot_dimension_numbers<[1], [0], [0], [1], [0, 0, 1, 1], [], []>, transpose_lhs_hint = false} : vector<3072x512xbf16>, vector<512x768xbf16>, vector<3072x768xf32> -> vector<3072x768xf32>
    %convert_element_type3A_146 = arith.truncf %dot_general3A_145 : vector<3072x768xf32> to vector<3072x768xbf16>
    %swap3A_147 = arith.constant 0 : index
    %swap3A_148 = arith.constant 0 : index
    %swap3A_149 = vector.load %arg9[%swap3A_147, %swap3A_148] : memref<3072x768xbf16, #tpu.memory_space<vmem>>, vector<3072x768xbf16>
    tpu.vector_store %arg9[%swap3A_147, %swap3A_148], %convert_element_type3A_146 {strides = array<i32>} : memref<3072x768xbf16, #tpu.memory_space<vmem>>, vector<3072x768xbf16>,
    %convert_element_type3A_150 = arith.truncf %div3A_48 : vector<512x1xf32> to vector<512x1xbf16>
    %dot_general3A_151 = arith.constant dense<0.000000e+00> : vector<3072x1xf32>
    %dot_general3A_152 = tpu.matmul %convert_element_type3A_136, %convert_element_type3A_150, %dot_general3A_151 {dimension_numbers = #tpu.dot_dimension_numbers<[1], [0], [0], [1], [0, 0, 1, 1], [], []>, transpose_lhs_hint = false} : vector<3072x512xbf16>, vector<512x1xbf16>, vector<3072x1xf32> -> vector<3072x1xf32>
    %convert_element_type3A_153 = arith.truncf %div3A_56 : vector<512x1xf32> to vector<512x1xbf16>
    %dot_general3A_154 = arith.constant dense<0.000000e+00> : vector<3072x1xf32>
    %dot_general3A_155 = tpu.matmul %convert_element_type3A_141, %convert_element_type3A_153, %dot_general3A_154 {dimension_numbers = #tpu.dot_dimension_numbers<[1], [0], [0], [1], [0, 0, 1, 1], [], []>, transpose_lhs_hint = false} : vector<3072x512xbf16>, vector<512x1xbf16>, vector<3072x1xf32> -> vector<3072x1xf32>
    %add3A_156 = arith.addf %dot_general3A_152, %dot_general3A_155 : vector<3072x1xf32>
    %swap3A_157 = arith.constant 0 : index
    %swap3A_158 = arith.constant 0 : index
    %swap3A_159 = vector.load %arg10[%swap3A_157, %swap3A_158] : memref<3072x1xf32, #tpu.memory_space<vmem>>, vector<3072x1xf32>
    tpu.vector_store %arg10[%swap3A_157, %swap3A_158], %add3A_156 {strides = array<i32>} : memref<3072x1xf32, #tpu.memory_space<vmem>>, vector<3072x1xf32>,
    %get3A_160 = arith.constant 0 : index
    %get3A_161 = arith.constant 0 : index
    %get3A_162 = vector.load %arg3[%get3A_160, %get3A_161] : memref<256x768xf32, #tpu.memory_space<vmem>>, vector<256x768xf32>
    %dot_general3A_163 = arith.constant dense<0.000000e+00> : vector<512x256xf32>
    %dot_general3A_164 = tpu.matmul %get3A_1, %get3A_162, %dot_general3A_163 {dimension_numbers = #tpu.dot_dimension_numbers<[1], [1], [0], [0], [0, 0, 1, 0], [], []>, transpose_lhs_hint = false} : vector<512x768xf32>, vector<256x768xf32>, vector<512x256xf32> -> vector<512x256xf32>
    %get3A_165 = arith.constant 0 : index
    %get3A_166 = arith.constant 0 : index
    %get3A_167 = vector.load %arg4[%get3A_165, %get3A_166] : memref<256x768xf32, #tpu.memory_space<vmem>>, vector<256x768xf32>
    %dot_general3A_168 = arith.constant dense<0.000000e+00> : vector<512x256xf32>
    %dot_general3A_169 = tpu.matmul %get3A_1, %get3A_167, %dot_general3A_168 {dimension_numbers = #tpu.dot_dimension_numbers<[1], [1], [0], [0], [0, 0, 1, 0], [], []>, transpose_lhs_hint = false} : vector<512x768xf32>, vector<256x768xf32>, vector<512x256xf32> -> vector<512x256xf32>
    %neg3A = arith.constant 0.000000e+00 : f32
    %neg3A_170 = vector.broadcast %neg3A : f32 to vector<512x256xf32>
    %neg3A_171 = arith.subf %neg3A_170, %dot_general3A_164 : vector<512x256xf32>
    %exp3A_172 = math.exp %neg3A_171 : vector<512x256xf32>
    %add3A_173 = arith.constant 1.000000e+00 : f32
    %add3A_174 = vector.broadcast %add3A_173 : f32 to vector<512x256xf32>
    %add3A_175 = arith.addf %add3A_174, %exp3A_172 : vector<512x256xf32>
    %div3A_176 = arith.constant 1.000000e+00 : f32
    %div3A_177 = vector.broadcast %div3A_176 : f32 to vector<512x256xf32>
    %div3A_178 = arith.divf %div3A_177, %add3A_175 : vector<512x256xf32>
    %mul3A_179 = arith.mulf %dot_general3A_164, %div3A_178 : vector<512x256xf32>
    %mul3A_180 = arith.mulf %mul3A_179, %dot_general3A_169 : vector<512x256xf32>
    %get3A_181 = arith.constant 0 : index
    %get3A_182 = arith.constant 0 : index
    %get3A_183 = vector.load %arg5[%get3A_181, %get3A_182] : memref<768x256xf32, #tpu.memory_space<vmem>>, vector<768x256xf32>
    %dot_general3A_184 = arith.constant dense<0.000000e+00> : vector<512x768xf32>
    %dot_general3A_185 = tpu.matmul %mul3A_180, %get3A_183, %dot_general3A_184 {dimension_numbers = #tpu.dot_dimension_numbers<[1], [1], [0], [0], [0, 0, 1, 0], [], []>, transpose_lhs_hint = false} : vector<512x256xf32>, vector<768x256xf32>, vector<512x768xf32> -> vector<512x768xf32>
    %swap3A_186 = arith.constant 0 : index
    %swap3A_187 = arith.constant 0 : index
    %swap3A_188 = vector.load %arg6[%swap3A_186, %swap3A_187] : memref<512x768xf32, #tpu.memory_space<vmem>>, vector<512x768xf32>
    tpu.vector_store %arg6[%swap3A_186, %swap3A_187], %dot_general3A_185 {strides = array<i32>} : memref<512x768xf32, #tpu.memory_space<vmem>>, vector<512x768xf32>,
    return
  }
}

module attributes {stable_mosaic.version = 14 : i64} {
  func.func @_ffn_body(%arg0: i32, %arg1: memref<96xi32, #tpu.memory_space<smem>>, %arg2: memref<1xi32, #tpu.memory_space<smem>>, %arg3: memref<128x768xbf16, #tpu.memory_space<vmem>>, %arg4: memref<1x256x768xf32, #tpu.memory_space<vmem>>, %arg5: memref<1x256x768xf32, #tpu.memory_space<vmem>>, %arg6: memref<1x768x256xf32, #tpu.memory_space<vmem>>, %arg7: memref<1x256x768xf32, #tpu.memory_space<vmem>>, %arg8: memref<1x256x768xf32, #tpu.memory_space<vmem>>, %arg9: memref<1x768x256xf32, #tpu.memory_space<vmem>>, %arg10: memref<1x256x768xf32, #tpu.memory_space<vmem>>, %arg11: memref<1x256x768xf32, #tpu.memory_space<vmem>>, %arg12: memref<1x768x256xf32, #tpu.memory_space<vmem>>, %arg13: memref<1x256x768xf32, #tpu.memory_space<vmem>>, %arg14: memref<1x256x768xf32, #tpu.memory_space<vmem>>, %arg15: memref<1x768x256xf32, #tpu.memory_space<vmem>>, %arg16: memref<1x1x32xf32, #tpu.memory_space<vmem>>, %arg17: memref<1x1x32xf32, #tpu.memory_space<vmem>>, %arg18: memref<1x1x32xf32, #tpu.memory_space<vmem>>, %arg19: memref<1x1x32xf32, #tpu.memory_space<vmem>>, %arg20: memref<128x768xf32, #tpu.memory_space<vmem>>) attributes {dimension_semantics = [#tpu.dimension_semantics<arbitrary>], iteration_bounds = array<i64: 24>, scalar_prefetch = 2 : i64, scratch_operands = 0 : i64, tpu.core_type = #tpu.core_type<tc>, window_params = [{transform_indices = @transform_0, window_bounds = array<i64: 128, 768>}, {transform_indices = @transform_1, window_bounds = array<i64: 1, 256, 768>}, {transform_indices = @transform_2, window_bounds = array<i64: 1, 256, 768>}, {transform_indices = @transform_3, window_bounds = array<i64: 1, 768, 256>}, {transform_indices = @transform_4, window_bounds = array<i64: 1, 256, 768>}, {transform_indices = @transform_5, window_bounds = array<i64: 1, 256, 768>}, {transform_indices = @transform_6, window_bounds = array<i64: 1, 768, 256>}, {transform_indices = @transform_7, window_bounds = array<i64: 1, 256, 768>}, {transform_indices = @transform_8, window_bounds = array<i64: 1, 256, 768>}, {transform_indices = @transform_9, window_bounds = array<i64: 1, 768, 256>}, {transform_indices = @transform_10, window_bounds = array<i64: 1, 256, 768>}, {transform_indices = @transform_11, window_bounds = array<i64: 1, 256, 768>}, {transform_indices = @transform_12, window_bounds = array<i64: 1, 768, 256>}, {transform_indices = @transform_13, window_bounds = array<i64: 1, 1, 32>}, {transform_indices = @transform_14, window_bounds = array<i64: 1, 1, 32>}, {transform_indices = @transform_15, window_bounds = array<i64: 1, 1, 32>}, {transform_indices = @transform_16, window_bounds = array<i64: 1, 1, 32>}, {transform_indices = @transform_17, window_bounds = array<i64: 128, 768>}]} {
    %mul3A = arith.constant 4 : i32
    %mul3A_0 = arith.muli %mul3A, %arg0 : i32
    %add3A = arith.constant 0 : i32
    %add3A_1 = arith.addi %mul3A_0, %add3A : i32
    %get3A = arith.constant 0 : index
    %get3A_2 = memref.load %arg2[%get3A] : memref<1xi32, #tpu.memory_space<smem>>
    %lt3A = arith.cmpi slt, %add3A_1, %get3A_2 : i32
    %convert_element_type3A = arith.extui %lt3A : i1 to i32
    %cond3A = arith.constant 0 : i32
    %cond3A_3 = arith.cmpi ne, %convert_element_type3A, %cond3A : i32
    scf.if %cond3A_3 {
      %get3A_34 = arith.constant 0 : index
      %get3A_35 = arith.constant 0 : index
      %get3A_36 = vector.load %arg3[%get3A_34, %get3A_35] : memref<128x768xbf16, #tpu.memory_space<vmem>>, vector<32x768xbf16>
      %get3A_37 = arith.constant 0 : index
      %get3A_38 = arith.constant 0 : index
      %get3A_39 = arith.constant 0 : index
      %get3A_40 = vector.load %arg4[%get3A_37, %get3A_38, %get3A_39] : memref<1x256x768xf32, #tpu.memory_space<vmem>>, vector<1x256x768xf32>
      %get3A_41 = vector.shape_cast %get3A_40 : vector<1x256x768xf32> to vector<256x768xf32>
      %convert_element_type3A_42 = arith.truncf %get3A_41 : vector<256x768xf32> to vector<256x768xbf16>
      %dot_general3A = arith.constant dense<0.000000e+00> : vector<32x256xf32>
      %dot_general3A_43 = tpu.matmul %get3A_36, %convert_element_type3A_42, %dot_general3A {dimension_numbers = #tpu.dot_dimension_numbers<[1], [1], [0], [0], [0, 0, 1, 0], [], []>, transpose_lhs_hint = false} : vector<32x768xbf16>, vector<256x768xbf16>, vector<32x256xf32> -> vector<32x256xf32>
      %get3A_44 = arith.constant 0 : index
      %get3A_45 = arith.constant 0 : index
      %get3A_46 = arith.constant 0 : index
      %get3A_47 = vector.load %arg5[%get3A_44, %get3A_45, %get3A_46] : memref<1x256x768xf32, #tpu.memory_space<vmem>>, vector<1x256x768xf32>
      %get3A_48 = vector.shape_cast %get3A_47 : vector<1x256x768xf32> to vector<256x768xf32>
      %convert_element_type3A_49 = arith.truncf %get3A_48 : vector<256x768xf32> to vector<256x768xbf16>
      %dot_general3A_50 = arith.constant dense<0.000000e+00> : vector<32x256xf32>
      %dot_general3A_51 = tpu.matmul %get3A_36, %convert_element_type3A_49, %dot_general3A_50 {dimension_numbers = #tpu.dot_dimension_numbers<[1], [1], [0], [0], [0, 0, 1, 0], [], []>, transpose_lhs_hint = false} : vector<32x768xbf16>, vector<256x768xbf16>, vector<32x256xf32> -> vector<32x256xf32>
      %neg3A = arith.constant 0.000000e+00 : f32
      %neg3A_52 = vector.broadcast %neg3A : f32 to vector<32x256xf32>
      %neg3A_53 = arith.subf %neg3A_52, %dot_general3A_43 : vector<32x256xf32>
      %exp3A = math.exp %neg3A_53 : vector<32x256xf32>
      %add3A_54 = arith.constant 1.000000e+00 : f32
      %add3A_55 = vector.broadcast %add3A_54 : f32 to vector<32x256xf32>
      %add3A_56 = arith.addf %add3A_55, %exp3A : vector<32x256xf32>
      %div3A = arith.constant 1.000000e+00 : f32
      %div3A_57 = vector.broadcast %div3A : f32 to vector<32x256xf32>
      %div3A_58 = arith.divf %div3A_57, %add3A_56 : vector<32x256xf32>
      %mul3A_59 = arith.mulf %dot_general3A_43, %div3A_58 : vector<32x256xf32>
      %mul3A_60 = arith.mulf %mul3A_59, %dot_general3A_51 : vector<32x256xf32>
      %convert_element_type3A_61 = arith.truncf %mul3A_60 : vector<32x256xf32> to vector<32x256xbf16>
      %get3A_62 = arith.constant 0 : index
      %get3A_63 = arith.constant 0 : index
      %get3A_64 = arith.constant 0 : index
      %get3A_65 = vector.load %arg6[%get3A_62, %get3A_63, %get3A_64] : memref<1x768x256xf32, #tpu.memory_space<vmem>>, vector<1x768x256xf32>
      %get3A_66 = vector.shape_cast %get3A_65 : vector<1x768x256xf32> to vector<768x256xf32>
      %convert_element_type3A_67 = arith.truncf %get3A_66 : vector<768x256xf32> to vector<768x256xbf16>
      %dot_general3A_68 = arith.constant dense<0.000000e+00> : vector<32x768xf32>
      %dot_general3A_69 = tpu.matmul %convert_element_type3A_61, %convert_element_type3A_67, %dot_general3A_68 {dimension_numbers = #tpu.dot_dimension_numbers<[1], [1], [0], [0], [0, 0, 1, 0], [], []>, transpose_lhs_hint = false} : vector<32x256xbf16>, vector<768x256xbf16>, vector<32x768xf32> -> vector<32x768xf32>
      %get3A_70 = arith.constant 0 : index
      %get3A_71 = arith.constant 0 : index
      %get3A_72 = arith.constant 0 : index
      %get3A_73 = vector.load %arg16[%get3A_70, %get3A_71, %get3A_72] : memref<1x1x32xf32, #tpu.memory_space<vmem>>, vector<1x1x32xf32>
      %get3A_74 = vector.shape_cast %get3A_73 : vector<1x1x32xf32> to vector<32xf32>
      %broadcast_in_dim3A = vector.shape_cast %get3A_74 : vector<32xf32> to vector<32x1xf32>
      %mul3A_75 = vector.broadcast %broadcast_in_dim3A : vector<32x1xf32> to vector<32x768xf32>
      %mul3A_76 = arith.mulf %dot_general3A_69, %mul3A_75 : vector<32x768xf32>
      %swap3A = arith.constant 0 : index
      %swap3A_77 = arith.constant 0 : index
      %swap3A_78 = vector.load %arg20[%swap3A, %swap3A_77] : memref<128x768xf32, #tpu.memory_space<vmem>>, vector<32x768xf32>
      tpu.vector_store %arg20[%swap3A, %swap3A_77], %mul3A_76 {strides = array<i32>} : memref<128x768xf32, #tpu.memory_space<vmem>>, vector<32x768xf32>,
    } else {
    }
    %mul3A_4 = arith.constant 4 : i32
    %mul3A_5 = arith.muli %mul3A_4, %arg0 : i32
    %add3A_6 = arith.constant 1 : i32
    %add3A_7 = arith.addi %mul3A_5, %add3A_6 : i32
    %get3A_8 = arith.constant 0 : index
    %get3A_9 = memref.load %arg2[%get3A_8] : memref<1xi32, #tpu.memory_space<smem>>
    %lt3A_10 = arith.cmpi slt, %add3A_7, %get3A_9 : i32
    %convert_element_type3A_11 = arith.extui %lt3A_10 : i1 to i32
    %cond3A_12 = arith.constant 0 : i32
    %cond3A_13 = arith.cmpi ne, %convert_element_type3A_11, %cond3A_12 : i32
    scf.if %cond3A_13 {
      %get3A_34 = arith.constant 32 : index
      %get3A_35 = arith.constant 0 : index
      %get3A_36 = vector.load %arg3[%get3A_34, %get3A_35] : memref<128x768xbf16, #tpu.memory_space<vmem>>, vector<32x768xbf16>
      %get3A_37 = arith.constant 0 : index
      %get3A_38 = arith.constant 0 : index
      %get3A_39 = arith.constant 0 : index
      %get3A_40 = vector.load %arg7[%get3A_37, %get3A_38, %get3A_39] : memref<1x256x768xf32, #tpu.memory_space<vmem>>, vector<1x256x768xf32>
      %get3A_41 = vector.shape_cast %get3A_40 : vector<1x256x768xf32> to vector<256x768xf32>
      %convert_element_type3A_42 = arith.truncf %get3A_41 : vector<256x768xf32> to vector<256x768xbf16>
      %dot_general3A = arith.constant dense<0.000000e+00> : vector<32x256xf32>
      %dot_general3A_43 = tpu.matmul %get3A_36, %convert_element_type3A_42, %dot_general3A {dimension_numbers = #tpu.dot_dimension_numbers<[1], [1], [0], [0], [0, 0, 1, 0], [], []>, transpose_lhs_hint = false} : vector<32x768xbf16>, vector<256x768xbf16>, vector<32x256xf32> -> vector<32x256xf32>
      %get3A_44 = arith.constant 0 : index
      %get3A_45 = arith.constant 0 : index
      %get3A_46 = arith.constant 0 : index
      %get3A_47 = vector.load %arg8[%get3A_44, %get3A_45, %get3A_46] : memref<1x256x768xf32, #tpu.memory_space<vmem>>, vector<1x256x768xf32>
      %get3A_48 = vector.shape_cast %get3A_47 : vector<1x256x768xf32> to vector<256x768xf32>
      %convert_element_type3A_49 = arith.truncf %get3A_48 : vector<256x768xf32> to vector<256x768xbf16>
      %dot_general3A_50 = arith.constant dense<0.000000e+00> : vector<32x256xf32>
      %dot_general3A_51 = tpu.matmul %get3A_36, %convert_element_type3A_49, %dot_general3A_50 {dimension_numbers = #tpu.dot_dimension_numbers<[1], [1], [0], [0], [0, 0, 1, 0], [], []>, transpose_lhs_hint = false} : vector<32x768xbf16>, vector<256x768xbf16>, vector<32x256xf32> -> vector<32x256xf32>
      %neg3A = arith.constant 0.000000e+00 : f32
      %neg3A_52 = vector.broadcast %neg3A : f32 to vector<32x256xf32>
      %neg3A_53 = arith.subf %neg3A_52, %dot_general3A_43 : vector<32x256xf32>
      %exp3A = math.exp %neg3A_53 : vector<32x256xf32>
      %add3A_54 = arith.constant 1.000000e+00 : f32
      %add3A_55 = vector.broadcast %add3A_54 : f32 to vector<32x256xf32>
      %add3A_56 = arith.addf %add3A_55, %exp3A : vector<32x256xf32>
      %div3A = arith.constant 1.000000e+00 : f32
      %div3A_57 = vector.broadcast %div3A : f32 to vector<32x256xf32>
      %div3A_58 = arith.divf %div3A_57, %add3A_56 : vector<32x256xf32>
      %mul3A_59 = arith.mulf %dot_general3A_43, %div3A_58 : vector<32x256xf32>
      %mul3A_60 = arith.mulf %mul3A_59, %dot_general3A_51 : vector<32x256xf32>
      %convert_element_type3A_61 = arith.truncf %mul3A_60 : vector<32x256xf32> to vector<32x256xbf16>
      %get3A_62 = arith.constant 0 : index
      %get3A_63 = arith.constant 0 : index
      %get3A_64 = arith.constant 0 : index
      %get3A_65 = vector.load %arg9[%get3A_62, %get3A_63, %get3A_64] : memref<1x768x256xf32, #tpu.memory_space<vmem>>, vector<1x768x256xf32>
      %get3A_66 = vector.shape_cast %get3A_65 : vector<1x768x256xf32> to vector<768x256xf32>
      %convert_element_type3A_67 = arith.truncf %get3A_66 : vector<768x256xf32> to vector<768x256xbf16>
      %dot_general3A_68 = arith.constant dense<0.000000e+00> : vector<32x768xf32>
      %dot_general3A_69 = tpu.matmul %convert_element_type3A_61, %convert_element_type3A_67, %dot_general3A_68 {dimension_numbers = #tpu.dot_dimension_numbers<[1], [1], [0], [0], [0, 0, 1, 0], [], []>, transpose_lhs_hint = false} : vector<32x256xbf16>, vector<768x256xbf16>, vector<32x768xf32> -> vector<32x768xf32>
      %get3A_70 = arith.constant 0 : index
      %get3A_71 = arith.constant 0 : index
      %get3A_72 = arith.constant 0 : index
      %get3A_73 = vector.load %arg17[%get3A_70, %get3A_71, %get3A_72] : memref<1x1x32xf32, #tpu.memory_space<vmem>>, vector<1x1x32xf32>
      %get3A_74 = vector.shape_cast %get3A_73 : vector<1x1x32xf32> to vector<32xf32>
      %broadcast_in_dim3A = vector.shape_cast %get3A_74 : vector<32xf32> to vector<32x1xf32>
      %mul3A_75 = vector.broadcast %broadcast_in_dim3A : vector<32x1xf32> to vector<32x768xf32>
      %mul3A_76 = arith.mulf %dot_general3A_69, %mul3A_75 : vector<32x768xf32>
      %swap3A = arith.constant 32 : index
      %swap3A_77 = arith.constant 0 : index
      %swap3A_78 = vector.load %arg20[%swap3A, %swap3A_77] : memref<128x768xf32, #tpu.memory_space<vmem>>, vector<32x768xf32>
      tpu.vector_store %arg20[%swap3A, %swap3A_77], %mul3A_76 {strides = array<i32>} : memref<128x768xf32, #tpu.memory_space<vmem>>, vector<32x768xf32>,
    } else {
    }
    %mul3A_14 = arith.constant 4 : i32
    %mul3A_15 = arith.muli %mul3A_14, %arg0 : i32
    %add3A_16 = arith.constant 2 : i32
    %add3A_17 = arith.addi %mul3A_15, %add3A_16 : i32
    %get3A_18 = arith.constant 0 : index
    %get3A_19 = memref.load %arg2[%get3A_18] : memref<1xi32, #tpu.memory_space<smem>>
    %lt3A_20 = arith.cmpi slt, %add3A_17, %get3A_19 : i32
    %convert_element_type3A_21 = arith.extui %lt3A_20 : i1 to i32
    %cond3A_22 = arith.constant 0 : i32
    %cond3A_23 = arith.cmpi ne, %convert_element_type3A_21, %cond3A_22 : i32
    scf.if %cond3A_23 {
      %get3A_34 = arith.constant 64 : index
      %get3A_35 = arith.constant 0 : index
      %get3A_36 = vector.load %arg3[%get3A_34, %get3A_35] : memref<128x768xbf16, #tpu.memory_space<vmem>>, vector<32x768xbf16>
      %get3A_37 = arith.constant 0 : index
      %get3A_38 = arith.constant 0 : index
      %get3A_39 = arith.constant 0 : index
      %get3A_40 = vector.load %arg10[%get3A_37, %get3A_38, %get3A_39] : memref<1x256x768xf32, #tpu.memory_space<vmem>>, vector<1x256x768xf32>
      %get3A_41 = vector.shape_cast %get3A_40 : vector<1x256x768xf32> to vector<256x768xf32>
      %convert_element_type3A_42 = arith.truncf %get3A_41 : vector<256x768xf32> to vector<256x768xbf16>
      %dot_general3A = arith.constant dense<0.000000e+00> : vector<32x256xf32>
      %dot_general3A_43 = tpu.matmul %get3A_36, %convert_element_type3A_42, %dot_general3A {dimension_numbers = #tpu.dot_dimension_numbers<[1], [1], [0], [0], [0, 0, 1, 0], [], []>, transpose_lhs_hint = false} : vector<32x768xbf16>, vector<256x768xbf16>, vector<32x256xf32> -> vector<32x256xf32>
      %get3A_44 = arith.constant 0 : index
      %get3A_45 = arith.constant 0 : index
      %get3A_46 = arith.constant 0 : index
      %get3A_47 = vector.load %arg11[%get3A_44, %get3A_45, %get3A_46] : memref<1x256x768xf32, #tpu.memory_space<vmem>>, vector<1x256x768xf32>
      %get3A_48 = vector.shape_cast %get3A_47 : vector<1x256x768xf32> to vector<256x768xf32>
      %convert_element_type3A_49 = arith.truncf %get3A_48 : vector<256x768xf32> to vector<256x768xbf16>
      %dot_general3A_50 = arith.constant dense<0.000000e+00> : vector<32x256xf32>
      %dot_general3A_51 = tpu.matmul %get3A_36, %convert_element_type3A_49, %dot_general3A_50 {dimension_numbers = #tpu.dot_dimension_numbers<[1], [1], [0], [0], [0, 0, 1, 0], [], []>, transpose_lhs_hint = false} : vector<32x768xbf16>, vector<256x768xbf16>, vector<32x256xf32> -> vector<32x256xf32>
      %neg3A = arith.constant 0.000000e+00 : f32
      %neg3A_52 = vector.broadcast %neg3A : f32 to vector<32x256xf32>
      %neg3A_53 = arith.subf %neg3A_52, %dot_general3A_43 : vector<32x256xf32>
      %exp3A = math.exp %neg3A_53 : vector<32x256xf32>
      %add3A_54 = arith.constant 1.000000e+00 : f32
      %add3A_55 = vector.broadcast %add3A_54 : f32 to vector<32x256xf32>
      %add3A_56 = arith.addf %add3A_55, %exp3A : vector<32x256xf32>
      %div3A = arith.constant 1.000000e+00 : f32
      %div3A_57 = vector.broadcast %div3A : f32 to vector<32x256xf32>
      %div3A_58 = arith.divf %div3A_57, %add3A_56 : vector<32x256xf32>
      %mul3A_59 = arith.mulf %dot_general3A_43, %div3A_58 : vector<32x256xf32>
      %mul3A_60 = arith.mulf %mul3A_59, %dot_general3A_51 : vector<32x256xf32>
      %convert_element_type3A_61 = arith.truncf %mul3A_60 : vector<32x256xf32> to vector<32x256xbf16>
      %get3A_62 = arith.constant 0 : index
      %get3A_63 = arith.constant 0 : index
      %get3A_64 = arith.constant 0 : index
      %get3A_65 = vector.load %arg12[%get3A_62, %get3A_63, %get3A_64] : memref<1x768x256xf32, #tpu.memory_space<vmem>>, vector<1x768x256xf32>
      %get3A_66 = vector.shape_cast %get3A_65 : vector<1x768x256xf32> to vector<768x256xf32>
      %convert_element_type3A_67 = arith.truncf %get3A_66 : vector<768x256xf32> to vector<768x256xbf16>
      %dot_general3A_68 = arith.constant dense<0.000000e+00> : vector<32x768xf32>
      %dot_general3A_69 = tpu.matmul %convert_element_type3A_61, %convert_element_type3A_67, %dot_general3A_68 {dimension_numbers = #tpu.dot_dimension_numbers<[1], [1], [0], [0], [0, 0, 1, 0], [], []>, transpose_lhs_hint = false} : vector<32x256xbf16>, vector<768x256xbf16>, vector<32x768xf32> -> vector<32x768xf32>
      %get3A_70 = arith.constant 0 : index
      %get3A_71 = arith.constant 0 : index
      %get3A_72 = arith.constant 0 : index
      %get3A_73 = vector.load %arg18[%get3A_70, %get3A_71, %get3A_72] : memref<1x1x32xf32, #tpu.memory_space<vmem>>, vector<1x1x32xf32>
      %get3A_74 = vector.shape_cast %get3A_73 : vector<1x1x32xf32> to vector<32xf32>
      %broadcast_in_dim3A = vector.shape_cast %get3A_74 : vector<32xf32> to vector<32x1xf32>
      %mul3A_75 = vector.broadcast %broadcast_in_dim3A : vector<32x1xf32> to vector<32x768xf32>
      %mul3A_76 = arith.mulf %dot_general3A_69, %mul3A_75 : vector<32x768xf32>
      %swap3A = arith.constant 64 : index
      %swap3A_77 = arith.constant 0 : index
      %swap3A_78 = vector.load %arg20[%swap3A, %swap3A_77] : memref<128x768xf32, #tpu.memory_space<vmem>>, vector<32x768xf32>
      tpu.vector_store %arg20[%swap3A, %swap3A_77], %mul3A_76 {strides = array<i32>} : memref<128x768xf32, #tpu.memory_space<vmem>>, vector<32x768xf32>,
    } else {
    }
    %mul3A_24 = arith.constant 4 : i32
    %mul3A_25 = arith.muli %mul3A_24, %arg0 : i32
    %add3A_26 = arith.constant 3 : i32
    %add3A_27 = arith.addi %mul3A_25, %add3A_26 : i32
    %get3A_28 = arith.constant 0 : index
    %get3A_29 = memref.load %arg2[%get3A_28] : memref<1xi32, #tpu.memory_space<smem>>
    %lt3A_30 = arith.cmpi slt, %add3A_27, %get3A_29 : i32
    %convert_element_type3A_31 = arith.extui %lt3A_30 : i1 to i32
    %cond3A_32 = arith.constant 0 : i32
    %cond3A_33 = arith.cmpi ne, %convert_element_type3A_31, %cond3A_32 : i32
    scf.if %cond3A_33 {
      %get3A_34 = arith.constant 96 : index
      %get3A_35 = arith.constant 0 : index
      %get3A_36 = vector.load %arg3[%get3A_34, %get3A_35] : memref<128x768xbf16, #tpu.memory_space<vmem>>, vector<32x768xbf16>
      %get3A_37 = arith.constant 0 : index
      %get3A_38 = arith.constant 0 : index
      %get3A_39 = arith.constant 0 : index
      %get3A_40 = vector.load %arg13[%get3A_37, %get3A_38, %get3A_39] : memref<1x256x768xf32, #tpu.memory_space<vmem>>, vector<1x256x768xf32>
      %get3A_41 = vector.shape_cast %get3A_40 : vector<1x256x768xf32> to vector<256x768xf32>
      %convert_element_type3A_42 = arith.truncf %get3A_41 : vector<256x768xf32> to vector<256x768xbf16>
      %dot_general3A = arith.constant dense<0.000000e+00> : vector<32x256xf32>
      %dot_general3A_43 = tpu.matmul %get3A_36, %convert_element_type3A_42, %dot_general3A {dimension_numbers = #tpu.dot_dimension_numbers<[1], [1], [0], [0], [0, 0, 1, 0], [], []>, transpose_lhs_hint = false} : vector<32x768xbf16>, vector<256x768xbf16>, vector<32x256xf32> -> vector<32x256xf32>
      %get3A_44 = arith.constant 0 : index
      %get3A_45 = arith.constant 0 : index
      %get3A_46 = arith.constant 0 : index
      %get3A_47 = vector.load %arg14[%get3A_44, %get3A_45, %get3A_46] : memref<1x256x768xf32, #tpu.memory_space<vmem>>, vector<1x256x768xf32>
      %get3A_48 = vector.shape_cast %get3A_47 : vector<1x256x768xf32> to vector<256x768xf32>
      %convert_element_type3A_49 = arith.truncf %get3A_48 : vector<256x768xf32> to vector<256x768xbf16>
      %dot_general3A_50 = arith.constant dense<0.000000e+00> : vector<32x256xf32>
      %dot_general3A_51 = tpu.matmul %get3A_36, %convert_element_type3A_49, %dot_general3A_50 {dimension_numbers = #tpu.dot_dimension_numbers<[1], [1], [0], [0], [0, 0, 1, 0], [], []>, transpose_lhs_hint = false} : vector<32x768xbf16>, vector<256x768xbf16>, vector<32x256xf32> -> vector<32x256xf32>
      %neg3A = arith.constant 0.000000e+00 : f32
      %neg3A_52 = vector.broadcast %neg3A : f32 to vector<32x256xf32>
      %neg3A_53 = arith.subf %neg3A_52, %dot_general3A_43 : vector<32x256xf32>
      %exp3A = math.exp %neg3A_53 : vector<32x256xf32>
      %add3A_54 = arith.constant 1.000000e+00 : f32
      %add3A_55 = vector.broadcast %add3A_54 : f32 to vector<32x256xf32>
      %add3A_56 = arith.addf %add3A_55, %exp3A : vector<32x256xf32>
      %div3A = arith.constant 1.000000e+00 : f32
      %div3A_57 = vector.broadcast %div3A : f32 to vector<32x256xf32>
      %div3A_58 = arith.divf %div3A_57, %add3A_56 : vector<32x256xf32>
      %mul3A_59 = arith.mulf %dot_general3A_43, %div3A_58 : vector<32x256xf32>
      %mul3A_60 = arith.mulf %mul3A_59, %dot_general3A_51 : vector<32x256xf32>
      %convert_element_type3A_61 = arith.truncf %mul3A_60 : vector<32x256xf32> to vector<32x256xbf16>
      %get3A_62 = arith.constant 0 : index
      %get3A_63 = arith.constant 0 : index
      %get3A_64 = arith.constant 0 : index
      %get3A_65 = vector.load %arg15[%get3A_62, %get3A_63, %get3A_64] : memref<1x768x256xf32, #tpu.memory_space<vmem>>, vector<1x768x256xf32>
      %get3A_66 = vector.shape_cast %get3A_65 : vector<1x768x256xf32> to vector<768x256xf32>
      %convert_element_type3A_67 = arith.truncf %get3A_66 : vector<768x256xf32> to vector<768x256xbf16>
      %dot_general3A_68 = arith.constant dense<0.000000e+00> : vector<32x768xf32>
      %dot_general3A_69 = tpu.matmul %convert_element_type3A_61, %convert_element_type3A_67, %dot_general3A_68 {dimension_numbers = #tpu.dot_dimension_numbers<[1], [1], [0], [0], [0, 0, 1, 0], [], []>, transpose_lhs_hint = false} : vector<32x256xbf16>, vector<768x256xbf16>, vector<32x768xf32> -> vector<32x768xf32>
      %get3A_70 = arith.constant 0 : index
      %get3A_71 = arith.constant 0 : index
      %get3A_72 = arith.constant 0 : index
      %get3A_73 = vector.load %arg19[%get3A_70, %get3A_71, %get3A_72] : memref<1x1x32xf32, #tpu.memory_space<vmem>>, vector<1x1x32xf32>
      %get3A_74 = vector.shape_cast %get3A_73 : vector<1x1x32xf32> to vector<32xf32>
      %broadcast_in_dim3A = vector.shape_cast %get3A_74 : vector<32xf32> to vector<32x1xf32>
      %mul3A_75 = vector.broadcast %broadcast_in_dim3A : vector<32x1xf32> to vector<32x768xf32>
      %mul3A_76 = arith.mulf %dot_general3A_69, %mul3A_75 : vector<32x768xf32>
      %swap3A = arith.constant 96 : index
      %swap3A_77 = arith.constant 0 : index
      %swap3A_78 = vector.load %arg20[%swap3A, %swap3A_77] : memref<128x768xf32, #tpu.memory_space<vmem>>, vector<32x768xf32>
      tpu.vector_store %arg20[%swap3A, %swap3A_77], %mul3A_76 {strides = array<i32>} : memref<128x768xf32, #tpu.memory_space<vmem>>, vector<32x768xf32>,
    } else {
    }
    return
  }
  func.func @transform_0(%arg0: i32, %arg1: memref<96xi32, #tpu.memory_space<smem>>, %arg2: memref<1xi32, #tpu.memory_space<smem>>) -> (i32, i32) {
    %c0_i32 = arith.constant 0 : i32
    %c0_i32_0 = arith.constant 0 : i32
    return %arg0, %c0_i32 : i32, i32
  }
  func.func @transform_1(%arg0: i32, %arg1: memref<96xi32, #tpu.memory_space<smem>>, %arg2: memref<1xi32, #tpu.memory_space<smem>>) -> (i32, i32, i32) {
    %mul3A = arith.constant 4 : i32
    %mul3A_0 = arith.muli %mul3A, %arg0 : i32
    %add3A = arith.constant 0 : i32
    %add3A_1 = arith.addi %mul3A_0, %add3A : i32
    %get3A = arith.index_cast %add3A_1 : i32 to index
    %get3A_2 = memref.load %arg1[%get3A] : memref<96xi32, #tpu.memory_space<smem>>
    %c0_i32 = arith.constant 0 : i32
    %c0_i32_3 = arith.constant 0 : i32
    %c0_i32_4 = arith.constant 0 : i32
    return %get3A_2, %c0_i32, %c0_i32_3 : i32, i32, i32
  }
  func.func @transform_2(%arg0: i32, %arg1: memref<96xi32, #tpu.memory_space<smem>>, %arg2: memref<1xi32, #tpu.memory_space<smem>>) -> (i32, i32, i32) {
    %mul3A = arith.constant 4 : i32
    %mul3A_0 = arith.muli %mul3A, %arg0 : i32
    %add3A = arith.constant 0 : i32
    %add3A_1 = arith.addi %mul3A_0, %add3A : i32
    %get3A = arith.index_cast %add3A_1 : i32 to index
    %get3A_2 = memref.load %arg1[%get3A] : memref<96xi32, #tpu.memory_space<smem>>
    %c0_i32 = arith.constant 0 : i32
    %c0_i32_3 = arith.constant 0 : i32
    %c0_i32_4 = arith.constant 0 : i32
    return %get3A_2, %c0_i32, %c0_i32_3 : i32, i32, i32
  }
  func.func @transform_3(%arg0: i32, %arg1: memref<96xi32, #tpu.memory_space<smem>>, %arg2: memref<1xi32, #tpu.memory_space<smem>>) -> (i32, i32, i32) {
    %mul3A = arith.constant 4 : i32
    %mul3A_0 = arith.muli %mul3A, %arg0 : i32
    %add3A = arith.constant 0 : i32
    %add3A_1 = arith.addi %mul3A_0, %add3A : i32
    %get3A = arith.index_cast %add3A_1 : i32 to index
    %get3A_2 = memref.load %arg1[%get3A] : memref<96xi32, #tpu.memory_space<smem>>
    %c0_i32 = arith.constant 0 : i32
    %c0_i32_3 = arith.constant 0 : i32
    %c0_i32_4 = arith.constant 0 : i32
    return %get3A_2, %c0_i32, %c0_i32_3 : i32, i32, i32
  }
  func.func @transform_4(%arg0: i32, %arg1: memref<96xi32, #tpu.memory_space<smem>>, %arg2: memref<1xi32, #tpu.memory_space<smem>>) -> (i32, i32, i32) {
    %mul3A = arith.constant 4 : i32
    %mul3A_0 = arith.muli %mul3A, %arg0 : i32
    %add3A = arith.constant 1 : i32
    %add3A_1 = arith.addi %mul3A_0, %add3A : i32
    %get3A = arith.index_cast %add3A_1 : i32 to index
    %get3A_2 = memref.load %arg1[%get3A] : memref<96xi32, #tpu.memory_space<smem>>
    %c0_i32 = arith.constant 0 : i32
    %c0_i32_3 = arith.constant 0 : i32
    %c0_i32_4 = arith.constant 0 : i32
    return %get3A_2, %c0_i32, %c0_i32_3 : i32, i32, i32
  }
  func.func @transform_5(%arg0: i32, %arg1: memref<96xi32, #tpu.memory_space<smem>>, %arg2: memref<1xi32, #tpu.memory_space<smem>>) -> (i32, i32, i32) {
    %mul3A = arith.constant 4 : i32
    %mul3A_0 = arith.muli %mul3A, %arg0 : i32
    %add3A = arith.constant 1 : i32
    %add3A_1 = arith.addi %mul3A_0, %add3A : i32
    %get3A = arith.index_cast %add3A_1 : i32 to index
    %get3A_2 = memref.load %arg1[%get3A] : memref<96xi32, #tpu.memory_space<smem>>
    %c0_i32 = arith.constant 0 : i32
    %c0_i32_3 = arith.constant 0 : i32
    %c0_i32_4 = arith.constant 0 : i32
    return %get3A_2, %c0_i32, %c0_i32_3 : i32, i32, i32
  }
  func.func @transform_6(%arg0: i32, %arg1: memref<96xi32, #tpu.memory_space<smem>>, %arg2: memref<1xi32, #tpu.memory_space<smem>>) -> (i32, i32, i32) {
    %mul3A = arith.constant 4 : i32
    %mul3A_0 = arith.muli %mul3A, %arg0 : i32
    %add3A = arith.constant 1 : i32
    %add3A_1 = arith.addi %mul3A_0, %add3A : i32
    %get3A = arith.index_cast %add3A_1 : i32 to index
    %get3A_2 = memref.load %arg1[%get3A] : memref<96xi32, #tpu.memory_space<smem>>
    %c0_i32 = arith.constant 0 : i32
    %c0_i32_3 = arith.constant 0 : i32
    %c0_i32_4 = arith.constant 0 : i32
    return %get3A_2, %c0_i32, %c0_i32_3 : i32, i32, i32
  }
  func.func @transform_7(%arg0: i32, %arg1: memref<96xi32, #tpu.memory_space<smem>>, %arg2: memref<1xi32, #tpu.memory_space<smem>>) -> (i32, i32, i32) {
    %mul3A = arith.constant 4 : i32
    %mul3A_0 = arith.muli %mul3A, %arg0 : i32
    %add3A = arith.constant 2 : i32
    %add3A_1 = arith.addi %mul3A_0, %add3A : i32
    %get3A = arith.index_cast %add3A_1 : i32 to index
    %get3A_2 = memref.load %arg1[%get3A] : memref<96xi32, #tpu.memory_space<smem>>
    %c0_i32 = arith.constant 0 : i32
    %c0_i32_3 = arith.constant 0 : i32
    %c0_i32_4 = arith.constant 0 : i32
    return %get3A_2, %c0_i32, %c0_i32_3 : i32, i32, i32
  }
  func.func @transform_8(%arg0: i32, %arg1: memref<96xi32, #tpu.memory_space<smem>>, %arg2: memref<1xi32, #tpu.memory_space<smem>>) -> (i32, i32, i32) {
    %mul3A = arith.constant 4 : i32
    %mul3A_0 = arith.muli %mul3A, %arg0 : i32
    %add3A = arith.constant 2 : i32
    %add3A_1 = arith.addi %mul3A_0, %add3A : i32
    %get3A = arith.index_cast %add3A_1 : i32 to index
    %get3A_2 = memref.load %arg1[%get3A] : memref<96xi32, #tpu.memory_space<smem>>
    %c0_i32 = arith.constant 0 : i32
    %c0_i32_3 = arith.constant 0 : i32
    %c0_i32_4 = arith.constant 0 : i32
    return %get3A_2, %c0_i32, %c0_i32_3 : i32, i32, i32
  }
  func.func @transform_9(%arg0: i32, %arg1: memref<96xi32, #tpu.memory_space<smem>>, %arg2: memref<1xi32, #tpu.memory_space<smem>>) -> (i32, i32, i32) {
    %mul3A = arith.constant 4 : i32
    %mul3A_0 = arith.muli %mul3A, %arg0 : i32
    %add3A = arith.constant 2 : i32
    %add3A_1 = arith.addi %mul3A_0, %add3A : i32
    %get3A = arith.index_cast %add3A_1 : i32 to index
    %get3A_2 = memref.load %arg1[%get3A] : memref<96xi32, #tpu.memory_space<smem>>
    %c0_i32 = arith.constant 0 : i32
    %c0_i32_3 = arith.constant 0 : i32
    %c0_i32_4 = arith.constant 0 : i32
    return %get3A_2, %c0_i32, %c0_i32_3 : i32, i32, i32
  }
  func.func @transform_10(%arg0: i32, %arg1: memref<96xi32, #tpu.memory_space<smem>>, %arg2: memref<1xi32, #tpu.memory_space<smem>>) -> (i32, i32, i32) {
    %mul3A = arith.constant 4 : i32
    %mul3A_0 = arith.muli %mul3A, %arg0 : i32
    %add3A = arith.constant 3 : i32
    %add3A_1 = arith.addi %mul3A_0, %add3A : i32
    %get3A = arith.index_cast %add3A_1 : i32 to index
    %get3A_2 = memref.load %arg1[%get3A] : memref<96xi32, #tpu.memory_space<smem>>
    %c0_i32 = arith.constant 0 : i32
    %c0_i32_3 = arith.constant 0 : i32
    %c0_i32_4 = arith.constant 0 : i32
    return %get3A_2, %c0_i32, %c0_i32_3 : i32, i32, i32
  }
  func.func @transform_11(%arg0: i32, %arg1: memref<96xi32, #tpu.memory_space<smem>>, %arg2: memref<1xi32, #tpu.memory_space<smem>>) -> (i32, i32, i32) {
    %mul3A = arith.constant 4 : i32
    %mul3A_0 = arith.muli %mul3A, %arg0 : i32
    %add3A = arith.constant 3 : i32
    %add3A_1 = arith.addi %mul3A_0, %add3A : i32
    %get3A = arith.index_cast %add3A_1 : i32 to index
    %get3A_2 = memref.load %arg1[%get3A] : memref<96xi32, #tpu.memory_space<smem>>
    %c0_i32 = arith.constant 0 : i32
    %c0_i32_3 = arith.constant 0 : i32
    %c0_i32_4 = arith.constant 0 : i32
    return %get3A_2, %c0_i32, %c0_i32_3 : i32, i32, i32
  }
  func.func @transform_12(%arg0: i32, %arg1: memref<96xi32, #tpu.memory_space<smem>>, %arg2: memref<1xi32, #tpu.memory_space<smem>>) -> (i32, i32, i32) {
    %mul3A = arith.constant 4 : i32
    %mul3A_0 = arith.muli %mul3A, %arg0 : i32
    %add3A = arith.constant 3 : i32
    %add3A_1 = arith.addi %mul3A_0, %add3A : i32
    %get3A = arith.index_cast %add3A_1 : i32 to index
    %get3A_2 = memref.load %arg1[%get3A] : memref<96xi32, #tpu.memory_space<smem>>
    %c0_i32 = arith.constant 0 : i32
    %c0_i32_3 = arith.constant 0 : i32
    %c0_i32_4 = arith.constant 0 : i32
    return %get3A_2, %c0_i32, %c0_i32_3 : i32, i32, i32
  }
  func.func @transform_13(%arg0: i32, %arg1: memref<96xi32, #tpu.memory_space<smem>>, %arg2: memref<1xi32, #tpu.memory_space<smem>>) -> (i32, i32, i32) {
    %mul3A = arith.constant 4 : i32
    %mul3A_0 = arith.muli %mul3A, %arg0 : i32
    %add3A = arith.constant 0 : i32
    %add3A_1 = arith.addi %mul3A_0, %add3A : i32
    %c0_i32 = arith.constant 0 : i32
    %c0_i32_2 = arith.constant 0 : i32
    %c0_i32_3 = arith.constant 0 : i32
    return %add3A_1, %c0_i32, %c0_i32_2 : i32, i32, i32
  }
  func.func @transform_14(%arg0: i32, %arg1: memref<96xi32, #tpu.memory_space<smem>>, %arg2: memref<1xi32, #tpu.memory_space<smem>>) -> (i32, i32, i32) {
    %mul3A = arith.constant 4 : i32
    %mul3A_0 = arith.muli %mul3A, %arg0 : i32
    %add3A = arith.constant 1 : i32
    %add3A_1 = arith.addi %mul3A_0, %add3A : i32
    %c0_i32 = arith.constant 0 : i32
    %c0_i32_2 = arith.constant 0 : i32
    %c0_i32_3 = arith.constant 0 : i32
    return %add3A_1, %c0_i32, %c0_i32_2 : i32, i32, i32
  }
  func.func @transform_15(%arg0: i32, %arg1: memref<96xi32, #tpu.memory_space<smem>>, %arg2: memref<1xi32, #tpu.memory_space<smem>>) -> (i32, i32, i32) {
    %mul3A = arith.constant 4 : i32
    %mul3A_0 = arith.muli %mul3A, %arg0 : i32
    %add3A = arith.constant 2 : i32
    %add3A_1 = arith.addi %mul3A_0, %add3A : i32
    %c0_i32 = arith.constant 0 : i32
    %c0_i32_2 = arith.constant 0 : i32
    %c0_i32_3 = arith.constant 0 : i32
    return %add3A_1, %c0_i32, %c0_i32_2 : i32, i32, i32
  }
  func.func @transform_16(%arg0: i32, %arg1: memref<96xi32, #tpu.memory_space<smem>>, %arg2: memref<1xi32, #tpu.memory_space<smem>>) -> (i32, i32, i32) {
    %mul3A = arith.constant 4 : i32
    %mul3A_0 = arith.muli %mul3A, %arg0 : i32
    %add3A = arith.constant 3 : i32
    %add3A_1 = arith.addi %mul3A_0, %add3A : i32
    %c0_i32 = arith.constant 0 : i32
    %c0_i32_2 = arith.constant 0 : i32
    %c0_i32_3 = arith.constant 0 : i32
    return %add3A_1, %c0_i32, %c0_i32_2 : i32, i32, i32
  }
  func.func @transform_17(%arg0: i32, %arg1: memref<96xi32, #tpu.memory_space<smem>>, %arg2: memref<1xi32, #tpu.memory_space<smem>>) -> (i32, i32) {
    %c0_i32 = arith.constant 0 : i32
    %c0_i32_0 = arith.constant 0 : i32
    return %arg0, %c0_i32 : i32, i32
  }
}

</mosaic_0001>

<sc_bundles>
// kernel: kernel.5.cloned.1.call-start
scs
__scs_entry_jumppad:
0x0: {  	(pc) =	sbr.rel $0x88, $3  }
0x1: {  	(tag) =	ssettag $0x0;
	lr =	simm.s32 $0x1  }
0x2: {  	[smem:$0x3F98] =	sst lr;
	_ =	strace $0xD0000000  }
0x3: {  	_ = 	snop  }
0x4: {  	_ = 	snop  }
0x5: {  	_ = 	snop  }
0x6: {  	_ = 	snop  }
0x7: {  	_ = 	snop  }
__scs_overlays_trampoline_lowered:
0x8: {  	[smem:$0x3FA7] =	sst s0  }
0x9: {  	[smem:$0x3FA8] =	sst s1  }
0xa: {  	[smem:$0x3FA9] =	sst s2  }
0xb: {  	[smem:$0x3FAA] =	sst s3  }
0xc: {  	[smem:$0x3FAB] =	sst s4  }
0xd: {  	[smem:$0x3FAC] =	sst s5  }
0xe: {  	[smem:$0x3FAD] =	sst s6  }
0xf: {  	[smem:$0x3FAE] =	sst s7  }
0x10: {  	[smem:$0x3FAF] =	sst s8  }
0x11: {  	[smem:$0x3FB0] =	sst s9;
	s0 =	simm.s32 @!p0 $0x0  }
0x12: {  	s1 =	sld [smem:$0x3F96];
	s0 =	simm.s32 @p0 $0x1  }
0x13: {  	[smem:$0x3FB1] =	sst s0;
	s0 =	simm.s32 @!p1 $0x0  }
0x14: {  	s2 =	sld [smem:$0x3F95];
	s0 =	simm.s32 @p1 $0x1  }
0x15: {  	[smem:$0x3FB2] =	sst s0;
	s0 =	simm.s32 @!p2 $0x0  }
0x16: {  	s3 =	sld [smem:$0x3FDB];
	s0 =	simm.s32 @p2 $0x1  }
0x17: {  	s4 =	simm.s32 $0x1BF5;
	[smem:$0x3FB4] =	sst s0  }
0x18: {  	s0 =	sld [smem:$0x3F97];
	_ =	swait.ge [sflag:s4], $0x0  }
0x19: {  	s7 =	sld [smem:$0x3F98]  }
0x1a: {  	s8 =	sadd.s32 $0xFFFFE003, lr  }
0x1b: {  	s9 =	sadd.s32 $0xFFFFFEF7, lr;
	s5 =	simm.s32 $0xFFFFFFFF;
	p2 =	slt.u32 s8, $0xFFFFF086  }
0x1c: {  	p1 =	slt.u32 s9, $0xF7A;
	s5 =	simm.s32 @!p2 $0x0  }
0x1d: {  	s5 =	simm.s32 @p1 $0x1;
	p0 =	seq.s32 s7, s2  }
0x1e: {  	s7 =	smul.u32 @!p0 $0xF7A, s2;
	p2 =	seq.s32 @!p0 s5, $0x0  }
0x1f: {  	s9 =	smul.u32 $0xF7A, s1;
	s8 =	simm.s32 @!p0 $0x1BF5;
	p2 =	por !p2, p0  }
0x20: {  	[sflag:s8] =	ssyncset.s32 @!p0 $0xFFFFF086;
	s6 =	sadd.s32 @!p0 s3, s7;
	s7 =	simm.s32 @!p0 $0x108  }
0x21: {  	s3 =	sadd.s32 s3, s9;
	s6 =	sadd.s32 @!p0 $0x88, s6;
	s7 =	simm.s32 @p2 $0x1082  }
0x22: {  	[simem:s7], [sflag:s8] =	dma.local @!p0 [hbm:s6], $0xF7A  }
0x23: {  	s9 =	sor.u32 $0xD0000000, s2;
	s6 =	simm.s32 $0x108;
	_ =	swait.ge @!p0 [sflag:s8], $0x0  }
0x24: {  	s3 =	sadd.s32 $0x88, s3;
	s6 =	simm.s32 @!p1 $0x1082;
	[sflag:s4] =	ssyncset.s32 $0xFFFFF086  }
0x25: {  	[simem:s6], [sflag:s4] =	dma.local [hbm:s3], $0xF7A  }
0x26: {  	[smem:$0x3F98] =	sst s1;
	(tag) =	ssettag s2;
	_ =	strace s9  }
0x27: {  	s1 =	sld [smem:$0x3FA8]  }
0x28: {  	s2 =	sld [smem:$0x3FA9]  }
0x29: {  	s4 =	sld [smem:$0x3FAB]  }
0x2a: {  	p0 =	seq.s32 s5, $0x0;
	s5 =	sld [smem:$0x3FAC]  }
0x2b: {  	s6 =	sld [smem:$0x3FAD]  }
0x2c: {  	s7 =	sld [smem:$0x3FAE]  }
0x2d: {  	s3 =	simm.s32 $0x108;
	s8 =	sld [smem:$0x3FAF]  }
0x2e: {  	s3 =	simm.s32 @!p0 $0x1082;
	s9 =	sld [smem:$0x3FB0]  }
0x2f: {  	lr =	sadd.s32 s0, s3;
	s0 =	sld [smem:$0x3FA7]  }
0x30: {  	s3 =	sld [smem:$0x3FAA]  }
0x31: {  	[smem:$0x3FB3] =	sst s10  }
0x32: {  	s10 =	sld [smem:$0x3FB1];
	_ =	sdelay $0x3  }
0x33: {  	p0 =	seq.s32 s10, $0x1;
	s10 =	sld [smem:$0x3FB3];
	_ =	sdelay $0x3  }
0x34: {  	[smem:$0x3FB3] =	sst s10  }
0x35: {  	s10 =	sld [smem:$0x3FB2];
	_ =	sdelay $0x3  }
0x36: {  	p1 =	seq.s32 s10, $0x1;
	s10 =	sld [smem:$0x3FB3];
	_ =	sdelay $0x3  }
0x37: {  	[smem:$0x3FB3] =	sst s10  }
0x38: {  	s10 =	sld [smem:$0x3FB4]  }
0x39: {  	_ = 	snop;
	(pc) =	sbr.ind lr, $3  }
0x3a: {  	_ = 	snop  }
0x3b: {  	_ = 	snop  }
0x3c: {  	p2 =	seq.s32 s10, $0x1;
	s10 =	sld [smem:$0x3FB3]  }
0x3d: {  	_ =	shalt  }
0x3e: {  	_ =	shalt  }
0x3f: {  	_ =	shalt  }
0x40: {  	_ =	shalt  }
0x41: {  	_ =	shalt  }
0x42: {  	_ =	shalt  }
0x43: {  	_ =	shalt  }
0x44: {  	_ =	shalt  }
0x45: {  	_ =	shalt  }
0x46: {  	_ =	shalt  }
0x47: {  	_ =	shalt  }
0x48: {  	_ =	shalt  }
0x49: {  	_ =	shalt  }
0x4a: {  	_ =	shalt  }
0x4b: {  	_ =	shalt  }
0x4c: {  	_ =	shalt  }
0x4d: {  	_ =	shalt  }
0x4e: {  	_ =	shalt  }
0x4f: {  	_ =	shalt  }
0x50: {  	_ =	shalt  }
0x51: {  	_ =	shalt  }
0x52: {  	_ =	shalt  }
0x53: {  	_ =	shalt  }
0x54: {  	_ =	shalt  }
0x55: {  	_ =	shalt  }
0x56: {  	_ =	shalt  }
0x57: {  	_ =	shalt  }
0x58: {  	_ =	shalt  }
0x59: {  	_ =	shalt  }
0x5a: {  	_ =	shalt  }
0x5b: {  	_ =	shalt  }
0x5c: {  	_ =	shalt  }
0x5d: {  	_ =	shalt  }
0x5e: {  	_ =	shalt  }
0x5f: {  	_ =	shalt  }
0x60: {  	_ =	shalt  }
0x61: {  	_ =	shalt  }
0x62: {  	_ =	shalt  }
0x63: {  	_ =	shalt  }
0x64: {  	_ =	shalt  }
0x65: {  	_ =	shalt  }
0x66: {  	_ =	shalt  }
0x67: {  	_ =	shalt  }
0x68: {  	_ =	shalt  }
0x69: {  	_ =	shalt  }
0x6a: {  	_ =	shalt  }
0x6b: {  	_ =	shalt  }
0x6c: {  	_ =	shalt  }
0x6d: {  	_ =	shalt  }
0x6e: {  	_ =	shalt  }
0x6f: {  	_ =	shalt  }
0x70: {  	_ =	shalt  }
0x71: {  	_ =	shalt  }
0x72: {  	_ =	shalt  }
0x73: {  	_ =	shalt  }
0x74: {  	_ =	shalt  }
0x75: {  	_ =	shalt  }
0x76: {  	_ =	shalt  }
0x77: {  	_ =	shalt  }
0x78: {  	_ =	shalt  }
0x79: {  	_ =	shalt  }
0x7a: {  	_ =	shalt  }
0x7b: {  	_ =	shalt  }
0x7c: {  	_ =	shalt  }
0x7d: {  	_ =	shalt  }
0x7e: {  	_ =	shalt  }
0x7f: {  	_ =	shalt  }
0x80: {  	_ =	shalt  }
0x81: {  	_ =	shalt  }
0x82: {  	_ =	shalt  }
0x83: {  	_ =	shalt  }
0x84: {  	_ =	shalt  }
0x85: {  	_ =	shalt  }
0x86: {  	_ =	shalt  }
0x87: {  	_ =	shalt  }
.Lfunc_end0:
.L_simem_size_0:
called_computation_lowered:
.L_overlay_start_0:
0x88: {  	s2 =	sld [smem:$0x3FD9]  }
0x89: {  	s3 =	sld [smem:$0x3FFE];
	_ =	sdelay $0x1  }
0x8a: {  	s1 =	srdreg.scid  }
0x8b: {  	s0 =	sand.u32 $0x1, s1  }
0x8c: {  	s17 =	sshll.u32 s0, $0xA;
	s2 =	sadd.s32 s3, s2  }
0x8d: {  	s2 =	sadd.s32 s2, s17  }
0x8e: {  	[smem:$0x3FBF] =	sst s2  }
0x8f: {  	_ = 	snop  }
0x90: {  	s2 =	sld [smem:$0x3FD0];
	(tm) =	ssettm $0x1  }
0x91: {  	s18 =	sld [smem:$0x3FFB];
	_ =	sdelay $0x3  }
0x92: {  	_ =	strace s18  }
0x93: {  	s3 =	sld [smem:$0x3FFC];
	_ =	sdelay $0x3  }
0x94: {  	_ =	strace s3  }
0x95: {  	s3 =	sld [smem:$0x3FFD];
	_ =	sdelay $0x3  }
0x96: {  	_ =	strace s3  }
0x97: {  	_ =	strace $0x8FFFFFFF  }
0x98: {  	s19 =	sld [smem:$0x3FDB];
	_ =	sdelay $0x1  }
0x99: {  	s4 =	simm.s32 $_scs_section_size  }
0x9a: {  	s5 =	simm.s32 $_size__tile_overlayer_lowered;
	s6 =	simm.s32 $_tile_overlayer_lowered  }
0x9b: {  	s22 =	simm.s32 $0x1BFF;
	s21 =	sshll.u32 s6, $0x1;
	s3 =	sadd.s32 s4, s19  }
0x9c: {  	s7 =	simm.s32 $0x0;
	s20 =	sshll.u32 s5, $0x1;
	s5 =	sadd.s32 s21, s3  }
0x9d: {  	[timem:s7], [sflag:s22] =	dma.local [hbm:s5], s20  }
0x9e: {  	_ =	swait.ge [sflag:s22], s20  }
0x9f: {  	s4 =	ssub.s32 $0x0, s20;
	[sflag:s22] =	ssyncset.done $0x0  }
0xa0: {  	[sflag:s22] =	ssyncadd.s32 s4;
	_ =	sdelay $0x1  }
0xa1: {  	s23 =	simm.s32 $0x1B8B  }
0xa2: {  	_ =	swait.ge [sflag:s23], $0x1  }
0xa3: {  	[sflag:s23] =	ssyncset.done $0x0  }
0xa4: {  	s25 =	simm.s32 $0x1B8E;
	s24 =	sld [smem:$0x3FFE];
	[sflag:s23] =	ssyncadd.s32 $0xFFFFFFFF  }
0xa5: {  	s26 =	simm.s32 $execute0_lowered;
	[smem:$0x3FD2] =	sst s25  }
0xa6: {  	s5 =	sshll.u32 s26, $0x1;
	_ =	strace $0x80000046;
	[dreg:$0x1] =	wrdreg $0xFFFFFFFF  }
0xa7: {  	s28 =	simm.s32 $_size_execute0_lowered;
	s3 =	sadd.s32 s3, s5;
	[dreg:$0x0] =	wrdreg $0x0  }
0xa8: {  	s5 =	sshll.u32 s28, $0x1;
	[dreg:$0x2] =	wrdreg s3  }
0xa9: {  	[dreg:$0x3] =	wrdreg s5  }
0xaa: {  	[dreg:$0x4] =	wrdreg $0xC0  }
0xab: {  	_ =	task [dreg:s7], $0x5FFFF  }
0xac: {  	[dreg:$0x1] =	wrdreg $0xFFFFFFFF  }
0xad: {  	[dreg:$0x0] =	wrdreg $0x60  }
0xae: {  	[dreg:$0x2] =	wrdreg s24  }
0xaf: {  	[dreg:$0x3] =	wrdreg s2  }
0xb0: {  	[dreg:$0x4] =	wrdreg $0x9  }
0xb1: {  	_ =	task.clear_ibuf [dreg:s7], $0x5FFFF;
	_ =	strace $0x90000046  }
0xb2: {  	s29 =	simm.s32 $0x9;
	_ =	strace $0x80000048  }
0xb3: {  	_ =	swait.ge [sflag:s29], $0x1  }
0xb4: {  	[sflag:s29] =	ssyncadd.s32 $0xFFFFFFFF  }
0xb5: {  	_ =	strace $0x90000048  }
0xb6: {  	_ =	sfence  }
0xb7: {  	s30 =	sld [smem:$0x0];
	_ =	sdelay $0x2  }
0xb8: {  	s31 =	sshll.u32 s1, $0xD;
	s1 =	sshrl.u32 s1, $0x2  }
0xb9: {  	s3 =	sand.u32 $0x4000, s31;
	s1 =	sadd.s32 s1, s30  }
0xba: {  	s0 =	sor.u32 s3, s0;
	s1 =	sshll.u32 s1, $0x11  }
0xbb: {  	s0 =	sor.u32 s1, s0  }
0xbc: {  	s0 =	sadd.s32 $0x8F2B, s0  }
0xbd: {  	[sflag:s0] =	ssyncadd.remote.s32 $0x1  }
0xbe: {  	_ =	sfence.sel $0xFFFF  }
0xbf: {  	[dreg:$0x0] =	wrdreg $0xFFFFFFFF;
	(pc) =	sbr.abs _section_cstart, $3  }
0xc0: {  	[dreg:$0x1] =	wrdreg $0xFFFFFFFF  }
0xc1: {  	_ =	task.clear_ibuf [dreg:s7], $0x2FFFF;
	_ =	strace $0x9FFFFFFF  }
0xc2: {  	(tm) =	ssettm $0x7FFFFFFF  }
0xc3: {  	_ =	shalt  }
tec
execute0_lowered:
.L_overlay_start_1:
0x0: {  	(tag) =	ssettag $0x1  }
0x1: {  	s0 =	rddreg [dreg:$0x0];
	s1 =	srdreg.scid  }
0x2: {  	s9 =	rddreg [dreg:$0x1];
	s5 =	stileid.u32  }
0x3: {  	s2 =	simm.s32 $0x0;
	s11 =	simm.s32 $0x3;
	s15 =	simm.s32 $0x1100  }
0x4: {  	s16 =	simm.s32 $0x1900;
	s17 =	simm.s32 $0x2100;
	s18 =	simm.s32 $0x2900  }
0x5: {  	s19 =	simm.s32 $0x3100;
	s20 =	simm.s32 $0x3900;
	s21 =	simm.s32 $0x4100  }
0x6: {  	s22 =	simm.s32 $0x4900;
	s23 =	simm.s32 $0x5100;
	s24 =	simm.s32 $0x5900  }
0x7: {  	s28 =	simm.s32 $0x2;
	s29 =	simm.s32 $0x0;
	s1 =	sand.u32 $0x1, s1  }
0x8: {  	s3 =	sshll.u32 s5, $0x5;
	s25 =	sshll.u32 s5, $0x6;
	[smem:$0x7FF] =	sst s2  }
0x9: {  	s6 =	sadd.s32 $0xD100, s0;
	s7 =	sadd.s32 $0xD200, s0;
	s4 =	sshll.u32 s1, $0x4  }
0xa: {  	_ =	strace $0x80000047;
	s1 =	ssub.s32 $0x2, s1;
	s3 =	sor.u32 s4, s3  }
0xb: {  	s4 =	sand.u32 $0x300, s25;
	s31 =	sshrl.u32 s1, $0x1;
	s26 =	sand.u32 $0x70, s3  }
0xc: {  	s25 =	simm.s32 $0x6100;
	s3 =	sshrl.u32 s3, $0x3;
	s4 =	sor.u32 s4, s26  }
0xd: {  	s1 =	ssub.s32 s1, s31;
	s10 =	smul.u32 $0x300, s3;
	s4 =	sshrl.u32 s4, $0x3  }
0xe: {  	v2 =	vlaneseq.u32;
	s3 =	sadd.s32 $0xD000, s0;
	s26 =	simm.s32 $0x1;
	s30 =	sadd.s32 s4, s0  }
0xf: {  	vm0 =	vmmov $0xffff;
	v1 =	vshrl.u32 v2, $0x3;
	s8 =	sadd.s32 s10, s0;
	s9 =	sadd.s32 s9, s10;
	s10 =	smax.u32 s1, $0x1  }
0x10: {  	v0 =	vand.u32 $0x7, v2;
	v2 =	vor.u32 $0x8, v2;
	v1 =	vmul.u32 $0x8, v1;
	s4 =	sadd.s32 $0xCE00, s30;
	s5 =	sadd.s32 $0xCE10, s30;
	s8 =	sadd.s32 $0xE00, s8  }
.LBB2_1:
0x11: {  	[tilespmem:s2], [sflag:$0x3] =	stream.linear.gather [hbm4b:s4+s2], $0x10, $0x38;
	[tilespmem:$0x9100] =	vst v63  }
0x12: {  	_ =	swait.ge [sflag:s11], $0x10  }
0x13: {  	[sflag:s11] =	ssyncset.done $0x0  }
0x14: {  	s0 =	simm.s32 $0x80;
	[sflag:s11] =	ssyncadd.s32 $0xFFFFFFF0  }
0x15: {  	[tilespmem:s0], [sflag:$0x3] =	stream.linear.gather [hbm4b:s5+s2], $0x10, $0x38;
	[tilespmem:$0x9100] =	vst v63  }
0x16: {  	_ =	swait.ge [sflag:s11], $0x10  }
0x17: {  	[sflag:s11] =	ssyncset.done $0x0  }
0x18: {  	[sflag:s11] =	ssyncadd.s32 $0xFFFFFFF0  }
0x19: {  	v3 =	vld [tilespmem:$0x0];
	_ =	sdelay $0x4  }
0x1a: {  	v4 =	vshrl.u32 v3, $0x3  }
0x1b: {  	v4 =	vmul.u32 $0x30, v4  }
0x1c: {  	v3 =	vand.u32 $0x7, v3  }
0x1d: {  	v3 =	vor.u32 v3, v4  }
0x1e: {  	v4 =	vperm.xlane v3, v0;
	_ =	sdelay $0x1  }
0x1f: {  	v4 =	vadd.s32 v1, v4;
	_ =	sdelay $0x3  }
0x20: {  	s12 =	simm.s32 $0x100;
	v3 =	vperm.xlane v3, v2  }
0x21: {  	[tilespmem:s12], [sflag:$0x1] =	stream.indirect_vreg.gather [hbm4b:s3+s2], $0x80, v4, vm0, $0xb8;
	[tilespmem:$0x9100] =	vst v63  }
0x22: {  	s13 =	simm.s32 $0x900;
	v3 =	vadd.s32 v1, v3  }
0x23: {  	[tilespmem:s13], [sflag:$0x1] =	stream.indirect_vreg.gather [hbm4b:s6+s2], $0x80, v4, vm0, $0xb8;
	[tilespmem:$0x9100] =	vst v63  }
0x24: {  	_ = 	snop  }
0x25: {  	[tilespmem:s15], [sflag:$0x1] =	stream.indirect_vreg.gather [hbm4b:s7+s2], $0x80, v4, vm0, $0xb8;
	[tilespmem:$0x9100] =	vst v63  }
0x26: {  	_ = 	snop  }
0x27: {  	[tilespmem:s16], [sflag:$0x1] =	stream.indirect_vreg.gather [hbm4b:s3+s2], $0x80, v3, vm0, $0xb8;
	[tilespmem:$0x9100] =	vst v63  }
0x28: {  	_ = 	snop  }
0x29: {  	[tilespmem:s17], [sflag:$0x1] =	stream.indirect_vreg.gather [hbm4b:s6+s2], $0x80, v3, vm0, $0xb8;
	[tilespmem:$0x9100] =	vst v63  }
0x2a: {  	_ = 	snop  }
0x2b: {  	[tilespmem:s18], [sflag:$0x1] =	stream.indirect_vreg.gather [hbm4b:s7+s2], $0x80, v3, vm0, $0xb8;
	[tilespmem:$0x9100] =	vst v63  }
0x2c: {  	v3 =	vld [tilespmem:$0x80];
	_ =	sdelay $0x4  }
0x2d: {  	v4 =	vshrl.u32 v3, $0x3  }
0x2e: {  	v4 =	vmul.u32 $0x30, v4  }
0x2f: {  	v3 =	vand.u32 $0x7, v3  }
0x30: {  	v3 =	vor.u32 v3, v4  }
0x31: {  	v4 =	vperm.xlane v3, v0;
	_ =	sdelay $0x1  }
0x32: {  	v4 =	vadd.s32 v1, v4;
	_ =	sdelay $0x3  }
0x33: {  	v3 =	vperm.xlane v3, v2  }
0x34: {  	[tilespmem:s19], [sflag:$0x2] =	stream.indirect_vreg.gather [hbm4b:s3+s2], $0x80, v4, vm0, $0xb8;
	[tilespmem:$0x9100] =	vst v63  }
0x35: {  	v3 =	vadd.s32 v1, v3  }
0x36: {  	[tilespmem:s20], [sflag:$0x2] =	stream.indirect_vreg.gather [hbm4b:s6+s2], $0x80, v4, vm0, $0xb8;
	[tilespmem:$0x9100] =	vst v63  }
0x37: {  	_ = 	snop  }
0x38: {  	[tilespmem:s21], [sflag:$0x2] =	stream.indirect_vreg.gather [hbm4b:s7+s2], $0x80, v4, vm0, $0xb8;
	[tilespmem:$0x9100] =	vst v63  }
0x39: {  	_ = 	snop  }
0x3a: {  	[tilespmem:s22], [sflag:$0x2] =	stream.indirect_vreg.gather [hbm4b:s3+s2], $0x80, v3, vm0, $0xb8;
	[tilespmem:$0x9100] =	vst v63  }
0x3b: {  	_ = 	snop  }
0x3c: {  	[tilespmem:s23], [sflag:$0x2] =	stream.indirect_vreg.gather [hbm4b:s6+s2], $0x80, v3, vm0, $0xb8;
	[tilespmem:$0x9100] =	vst v63  }
0x3d: {  	_ = 	snop  }
0x3e: {  	[tilespmem:s24], [sflag:$0x2] =	stream.indirect_vreg.gather [hbm4b:s7+s2], $0x80, v3, vm0, $0xb8;
	[tilespmem:$0x9100] =	vst v63  }
0x3f: {  	_ = 	snop  }
0x40: {  	[tilespmem:s25], [sflag:$0x3] =	stream.linear.gather [hbm4b:s8+s2], $0x3000, $0x38;
	[tilespmem:$0x9100] =	vst v63  }
0x41: {  	_ =	swait.ge [sflag:s11], $0x3000  }
0x42: {  	[sflag:s11] =	ssyncset.done $0x0  }
0x43: {  	[sflag:s11] =	ssyncadd.s32 $0xFFFFD000  }
0x44: {  	_ =	swait.ge [sflag:s26], $0x3000  }
0x45: {  	[sflag:s26] =	ssyncset.done $0x0  }
0x46: {  	[sflag:s26] =	ssyncadd.s32 $0xFFFFD000  }
0x47: {  	_ =	swait.ge [sflag:s28], $0x3000  }
0x48: {  	s14 =	sand.u32 $0x70, s2;
	s1 =	sand.u32 $0x1C00, s2;
	[sflag:s28] =	ssyncset.done $0x0  }
0x49: {  	s30 =	sor.u32 s14, s1;
	[sflag:s28] =	ssyncadd.s32 $0xFFFFD000  }
0x4a: {  	v3 =	vld [tilespmem:s30+$0x100]  }
0x4b: {  	v4 =	vld [tilespmem:s30+$0x6100];
	_ =	sdelay $0x1  }
0x4c: {  	v5 =	vld [tilespmem:s30+$0x3100];
	_ =	sdelay $0x2  }
0x4d: {  	v3 =	vadd.f32 v3, v4  }
0x4e: {  	s31 =	simm.s32 $0x10;
	s0 =	simm.s32 $0x80  }
0x4f: {  	s1 =	sand.u32 $0x70, s31;
	s12 =	sand.u32 $0x1C00, s0;
	v3 =	vadd.f32 v5, v3  }
0x50: {  	s12 =	sor.u32 s1, s12;
	s1 =	simm.s32 $0x20  }
.LBB2_2:
0x51: {  	p0 =	sne.s32 s1, $0x2F0;
	v4 =	vld [tilespmem:s12+$0x100];
	[tilespmem:s30+$0x6100] =	vst v3;
	s30 =	smov.u32 s12  }
0x52: {  	v3 =	vld [tilespmem:s30+$0x6100];
	_ =	sdelay $0x1  }
0x53: {  	v5 =	vld [tilespmem:s30+$0x3100];
	_ =	sdelay $0x1  }
.Ltmp0:
0x54: {  	(pc) =	sbr.rel @p0 .LBB2_2-.Ltmp0, $4  }
0x55: {  	v3 =	vadd.f32 v4, v3  }
0x56: {  	s0 =	sadd.s32 $0x80, s0  }
0x57: {  	s12 =	sand.u32 $0x70, s1;
	s13 =	sand.u32 $0x1C00, s0;
	v3 =	vadd.f32 v5, v3  }
0x58: {  	s1 =	sadd.s32 $0x10, s1;
	s12 =	sor.u32 s12, s13  }
0x59: {  	v4 =	vld [tilespmem:s12+$0x100];
	[tilespmem:s30+$0x6100] =	vst v3  }
0x5a: {  	v3 =	vld [tilespmem:s12+$0x6100];
	_ =	sdelay $0x1  }
0x5b: {  	v5 =	vld [tilespmem:s12+$0x3100];
	_ =	sdelay $0x2  }
0x5c: {  	v3 =	vadd.f32 v4, v3;
	_ =	sdelay $0x1  }
0x5d: {  	s0 =	simm.s32 $0x0;
	v3 =	vadd.f32 v5, v3  }
0x5e: {  	s1 =	sand.u32 $0x70, s0;
	s0 =	sand.u32 $0x1C00, s0  }
0x5f: {  	s30 =	sor.u32 s0, s1;
	[tilespmem:s12+$0x6100] =	vst v3  }
0x60: {  	v3 =	vld [tilespmem:s30+$0x180]  }
0x61: {  	v4 =	vld [tilespmem:s30+$0x6180];
	_ =	sdelay $0x1  }
0x62: {  	v5 =	vld [tilespmem:s30+$0x3180];
	_ =	sdelay $0x2  }
0x63: {  	v3 =	vadd.f32 v3, v4  }
0x64: {  	s13 =	simm.s32 $0x10;
	s0 =	simm.s32 $0x80  }
0x65: {  	s31 =	sand.u32 $0x70, s13;
	s14 =	sand.u32 $0x1C00, s0;
	v3 =	vadd.f32 v5, v3  }
0x66: {  	s1 =	smov.u32 s30;
	s13 =	sor.u32 s14, s31;
	s12 =	simm.s32 $0x20  }
.LBB2_4:
0x67: {  	p0 =	sne.s32 s12, $0x2F0;
	v4 =	vld [tilespmem:s13+$0x180];
	[tilespmem:s1+$0x6180] =	vst v3;
	s1 =	smov.u32 s13  }
0x68: {  	v3 =	vld [tilespmem:s1+$0x6180];
	_ =	sdelay $0x1  }
0x69: {  	v5 =	vld [tilespmem:s1+$0x3180];
	_ =	sdelay $0x1  }
.Ltmp1:
0x6a: {  	(pc) =	sbr.rel @p0 .LBB2_4-.Ltmp1, $4  }
0x6b: {  	v3 =	vadd.f32 v4, v3  }
0x6c: {  	s0 =	sadd.s32 $0x80, s0  }
0x6d: {  	s13 =	sand.u32 $0x70, s12;
	s14 =	sand.u32 $0x1C00, s0;
	v3 =	vadd.f32 v5, v3  }
0x6e: {  	s12 =	sadd.s32 $0x10, s12;
	s13 =	sor.u32 s14, s13  }
0x6f: {  	v4 =	vld [tilespmem:s13+$0x180];
	[tilespmem:s1+$0x6180] =	vst v3  }
0x70: {  	v3 =	vld [tilespmem:s13+$0x6180];
	_ =	sdelay $0x1  }
0x71: {  	v5 =	vld [tilespmem:s13+$0x3180];
	_ =	sdelay $0x2  }
0x72: {  	v3 =	vadd.f32 v4, v3;
	_ =	sdelay $0x1  }
0x73: {  	v3 =	vadd.f32 v5, v3;
	_ =	sdelay $0x1  }
0x74: {  	[tilespmem:s13+$0x6180] =	vst v3  }
0x75: {  	v3 =	vld [tilespmem:s30+$0x200]  }
0x76: {  	v4 =	vld [tilespmem:s30+$0x6200];
	_ =	sdelay $0x1  }
0x77: {  	v5 =	vld [tilespmem:s30+$0x3200];
	_ =	sdelay $0x2  }
0x78: {  	v3 =	vadd.f32 v3, v4  }
0x79: {  	s0 =	simm.s32 $0x80  }
0x7a: {  	s14 =	sand.u32 $0x1C00, s0;
	v3 =	vadd.f32 v5, v3  }
0x7b: {  	s1 =	simm.s32 $0x20;
	s12 =	sor.u32 s14, s31  }
.LBB2_6:
0x7c: {  	p0 =	sne.s32 s1, $0x2F0;
	v4 =	vld [tilespmem:s12+$0x200];
	[tilespmem:s30+$0x6200] =	vst v3;
	s30 =	smov.u32 s12  }
0x7d: {  	v3 =	vld [tilespmem:s30+$0x6200];
	_ =	sdelay $0x1  }
0x7e: {  	v5 =	vld [tilespmem:s30+$0x3200];
	_ =	sdelay $0x1  }
.Ltmp2:
0x7f: {  	(pc) =	sbr.rel @p0 .LBB2_6-.Ltmp2, $4  }
0x80: {  	v3 =	vadd.f32 v4, v3  }
0x81: {  	s0 =	sadd.s32 $0x80, s0  }
0x82: {  	s12 =	sand.u32 $0x70, s1;
	s13 =	sand.u32 $0x1C00, s0;
	v3 =	vadd.f32 v5, v3  }
0x83: {  	s1 =	sadd.s32 $0x10, s1;
	s12 =	sor.u32 s13, s12  }
0x84: {  	v4 =	vld [tilespmem:s12+$0x200];
	[tilespmem:s30+$0x6200] =	vst v3  }
0x85: {  	v3 =	vld [tilespmem:s12+$0x6200];
	_ =	sdelay $0x1  }
0x86: {  	v5 =	vld [tilespmem:s12+$0x3200];
	_ =	sdelay $0x2  }
0x87: {  	v3 =	vadd.f32 v4, v3;
	_ =	sdelay $0x1  }
0x88: {  	s0 =	simm.s32 $0x0;
	v3 =	vadd.f32 v5, v3  }
0x89: {  	s1 =	sand.u32 $0x70, s0;
	s0 =	sand.u32 $0x1C00, s0  }
0x8a: {  	s30 =	sor.u32 s0, s1;
	[tilespmem:s12+$0x6200] =	vst v3  }
0x8b: {  	v3 =	vld [tilespmem:s30+$0x280]  }
0x8c: {  	v4 =	vld [tilespmem:s30+$0x6280];
	_ =	sdelay $0x1  }
0x8d: {  	v5 =	vld [tilespmem:s30+$0x3280];
	_ =	sdelay $0x2  }
0x8e: {  	v3 =	vadd.f32 v3, v4  }
0x8f: {  	s13 =	simm.s32 $0x10;
	s0 =	simm.s32 $0x80  }
0x90: {  	s31 =	sand.u32 $0x70, s13;
	s14 =	sand.u32 $0x1C00, s0;
	v3 =	vadd.f32 v5, v3  }
0x91: {  	s1 =	smov.u32 s30;
	s13 =	sor.u32 s14, s31;
	s12 =	simm.s32 $0x20  }
.LBB2_8:
0x92: {  	p0 =	sne.s32 s12, $0x2F0;
	v4 =	vld [tilespmem:s13+$0x280];
	[tilespmem:s1+$0x6280] =	vst v3;
	s1 =	smov.u32 s13  }
0x93: {  	v3 =	vld [tilespmem:s1+$0x6280];
	_ =	sdelay $0x1  }
0x94: {  	v5 =	vld [tilespmem:s1+$0x3280];
	_ =	sdelay $0x1  }
.Ltmp3:
0x95: {  	(pc) =	sbr.rel @p0 .LBB2_8-.Ltmp3, $4  }
0x96: {  	v3 =	vadd.f32 v4, v3  }
0x97: {  	s0 =	sadd.s32 $0x80, s0  }
0x98: {  	s13 =	sand.u32 $0x70, s12;
	s14 =	sand.u32 $0x1C00, s0;
	v3 =	vadd.f32 v5, v3  }
0x99: {  	s12 =	sadd.s32 $0x10, s12;
	s13 =	sor.u32 s14, s13  }
0x9a: {  	v4 =	vld [tilespmem:s13+$0x280];
	[tilespmem:s1+$0x6280] =	vst v3  }
0x9b: {  	v3 =	vld [tilespmem:s13+$0x6280];
	_ =	sdelay $0x1  }
0x9c: {  	v5 =	vld [tilespmem:s13+$0x3280];
	_ =	sdelay $0x2  }
0x9d: {  	v3 =	vadd.f32 v4, v3;
	_ =	sdelay $0x1  }
0x9e: {  	v3 =	vadd.f32 v5, v3;
	_ =	sdelay $0x1  }
0x9f: {  	[tilespmem:s13+$0x6280] =	vst v3  }
0xa0: {  	v3 =	vld [tilespmem:s30+$0x300]  }
0xa1: {  	v4 =	vld [tilespmem:s30+$0x6300];
	_ =	sdelay $0x1  }
0xa2: {  	v5 =	vld [tilespmem:s30+$0x3300];
	_ =	sdelay $0x2  }
0xa3: {  	v3 =	vadd.f32 v3, v4  }
0xa4: {  	s0 =	simm.s32 $0x80  }
0xa5: {  	s14 =	sand.u32 $0x1C00, s0;
	v3 =	vadd.f32 v5, v3  }
0xa6: {  	s1 =	simm.s32 $0x20;
	s12 =	sor.u32 s14, s31  }
.LBB2_10:
0xa7: {  	p0 =	sne.s32 s1, $0x2F0;
	v4 =	vld [tilespmem:s12+$0x300];
	[tilespmem:s30+$0x6300] =	vst v3;
	s30 =	smov.u32 s12  }
0xa8: {  	v3 =	vld [tilespmem:s30+$0x6300];
	_ =	sdelay $0x1  }
0xa9: {  	v5 =	vld [tilespmem:s30+$0x3300];
	_ =	sdelay $0x1  }
.Ltmp4:
0xaa: {  	(pc) =	sbr.rel @p0 .LBB2_10-.Ltmp4, $4  }
0xab: {  	v3 =	vadd.f32 v4, v3  }
0xac: {  	s0 =	sadd.s32 $0x80, s0  }
0xad: {  	s12 =	sand.u32 $0x70, s1;
	s13 =	sand.u32 $0x1C00, s0;
	v3 =	vadd.f32 v5, v3  }
0xae: {  	s1 =	sadd.s32 $0x10, s1;
	s12 =	sor.u32 s13, s12  }
0xaf: {  	v4 =	vld [tilespmem:s12+$0x300];
	[tilespmem:s30+$0x6300] =	vst v3  }
0xb0: {  	v3 =	vld [tilespmem:s12+$0x6300];
	_ =	sdelay $0x1  }
0xb1: {  	v5 =	vld [tilespmem:s12+$0x3300];
	_ =	sdelay $0x2  }
0xb2: {  	v3 =	vadd.f32 v4, v3;
	_ =	sdelay $0x1  }
0xb3: {  	s0 =	simm.s32 $0x0;
	v3 =	vadd.f32 v5, v3  }
0xb4: {  	s1 =	sand.u32 $0x70, s0;
	s0 =	sand.u32 $0x1C00, s0  }
0xb5: {  	s30 =	sor.u32 s0, s1;
	[tilespmem:s12+$0x6300] =	vst v3  }
0xb6: {  	v3 =	vld [tilespmem:s30+$0x380]  }
0xb7: {  	v4 =	vld [tilespmem:s30+$0x6380];
	_ =	sdelay $0x1  }
0xb8: {  	v5 =	vld [tilespmem:s30+$0x3380];
	_ =	sdelay $0x2  }
0xb9: {  	v3 =	vadd.f32 v3, v4  }
0xba: {  	s13 =	simm.s32 $0x10;
	s0 =	simm.s32 $0x80  }
0xbb: {  	s31 =	sand.u32 $0x70, s13;
	s14 =	sand.u32 $0x1C00, s0;
	v3 =	vadd.f32 v5, v3  }
0xbc: {  	s1 =	smov.u32 s30;
	s13 =	sor.u32 s14, s31;
	s12 =	simm.s32 $0x20  }
.LBB2_12:
0xbd: {  	p0 =	sne.s32 s12, $0x2F0;
	v4 =	vld [tilespmem:s13+$0x380];
	[tilespmem:s1+$0x6380] =	vst v3;
	s1 =	smov.u32 s13  }
0xbe: {  	v3 =	vld [tilespmem:s1+$0x6380];
	_ =	sdelay $0x1  }
0xbf: {  	v5 =	vld [tilespmem:s1+$0x3380];
	_ =	sdelay $0x1  }
.Ltmp5:
0xc0: {  	(pc) =	sbr.rel @p0 .LBB2_12-.Ltmp5, $4  }
0xc1: {  	v3 =	vadd.f32 v4, v3  }
0xc2: {  	s0 =	sadd.s32 $0x80, s0  }
0xc3: {  	s13 =	sand.u32 $0x70, s12;
	s14 =	sand.u32 $0x1C00, s0;
	v3 =	vadd.f32 v5, v3  }
0xc4: {  	s12 =	sadd.s32 $0x10, s12;
	s13 =	sor.u32 s14, s13  }
0xc5: {  	v4 =	vld [tilespmem:s13+$0x380];
	[tilespmem:s1+$0x6380] =	vst v3  }
0xc6: {  	v3 =	vld [tilespmem:s13+$0x6380];
	_ =	sdelay $0x1  }
0xc7: {  	v5 =	vld [tilespmem:s13+$0x3380];
	_ =	sdelay $0x2  }
0xc8: {  	v3 =	vadd.f32 v4, v3;
	_ =	sdelay $0x1  }
0xc9: {  	v3 =	vadd.f32 v5, v3;
	_ =	sdelay $0x1  }
0xca: {  	[tilespmem:s13+$0x6380] =	vst v3  }
0xcb: {  	v3 =	vld [tilespmem:s30+$0x400]  }
0xcc: {  	v4 =	vld [tilespmem:s30+$0x6400];
	_ =	sdelay $0x1  }
0xcd: {  	v5 =	vld [tilespmem:s30+$0x3400];
	_ =	sdelay $0x2  }
0xce: {  	v3 =	vadd.f32 v3, v4  }
0xcf: {  	s0 =	simm.s32 $0x80  }
0xd0: {  	s14 =	sand.u32 $0x1C00, s0;
	v3 =	vadd.f32 v5, v3  }
0xd1: {  	s1 =	simm.s32 $0x20;
	s12 =	sor.u32 s14, s31  }
.LBB2_14:
0xd2: {  	p0 =	sne.s32 s1, $0x2F0;
	v4 =	vld [tilespmem:s12+$0x400];
	[tilespmem:s30+$0x6400] =	vst v3;
	s30 =	smov.u32 s12  }
0xd3: {  	v3 =	vld [tilespmem:s30+$0x6400];
	_ =	sdelay $0x1  }
0xd4: {  	v5 =	vld [tilespmem:s30+$0x3400];
	_ =	sdelay $0x1  }
.Ltmp6:
0xd5: {  	(pc) =	sbr.rel @p0 .LBB2_14-.Ltmp6, $4  }
0xd6: {  	v3 =	vadd.f32 v4, v3  }
0xd7: {  	s0 =	sadd.s32 $0x80, s0  }
0xd8: {  	s12 =	sand.u32 $0x70, s1;
	s13 =	sand.u32 $0x1C00, s0;
	v3 =	vadd.f32 v5, v3  }
0xd9: {  	s1 =	sadd.s32 $0x10, s1;
	s12 =	sor.u32 s13, s12  }
0xda: {  	v4 =	vld [tilespmem:s12+$0x400];
	[tilespmem:s30+$0x6400] =	vst v3  }
0xdb: {  	v3 =	vld [tilespmem:s12+$0x6400];
	_ =	sdelay $0x1  }
0xdc: {  	v5 =	vld [tilespmem:s12+$0x3400];
	_ =	sdelay $0x2  }
0xdd: {  	v3 =	vadd.f32 v4, v3;
	_ =	sdelay $0x1  }
0xde: {  	s31 =	simm.s32 $0x0;
	v3 =	vadd.f32 v5, v3  }
0xdf: {  	s0 =	sor.u32 s31, s31  }
0xe0: {  	s0 =	sor.u32 $0x380, s0;
	[tilespmem:s12+$0x6400] =	vst v3  }
0xe1: {  	v3 =	vld [tilespmem:s0+$0x100]  }
0xe2: {  	v4 =	vld [tilespmem:s0+$0x6100];
	_ =	sdelay $0x1  }
0xe3: {  	v5 =	vld [tilespmem:s0+$0x3100];
	_ =	sdelay $0x2  }
0xe4: {  	v3 =	vadd.f32 v3, v4  }
0xe5: {  	s30 =	simm.s32 $0x10;
	s1 =	simm.s32 $0x80  }
0xe6: {  	s14 =	sor.u32 s1, s30;
	v3 =	vadd.f32 v5, v3  }
0xe7: {  	s13 =	sor.u32 $0x380, s14;
	s12 =	simm.s32 $0x20  }
.LBB2_16:
0xe8: {  	p0 =	sne.s32 s12, $0x2F0;
	v4 =	vld [tilespmem:s13+$0x100];
	[tilespmem:s0+$0x6100] =	vst v3;
	s0 =	smov.u32 s13  }
0xe9: {  	v3 =	vld [tilespmem:s0+$0x6100];
	_ =	sdelay $0x1  }
0xea: {  	v5 =	vld [tilespmem:s0+$0x3100];
	_ =	sdelay $0x1  }
.Ltmp7:
0xeb: {  	(pc) =	sbr.rel @p0 .LBB2_16-.Ltmp7, $4  }
0xec: {  	v3 =	vadd.f32 v4, v3  }
0xed: {  	s1 =	sadd.s32 $0x80, s1  }
0xee: {  	s13 =	sor.u32 s1, s12;
	v3 =	vadd.f32 v5, v3  }
0xef: {  	s12 =	sadd.s32 $0x10, s12;
	s13 =	sor.u32 $0x380, s13  }
0xf0: {  	v4 =	vld [tilespmem:s13+$0x100];
	[tilespmem:s0+$0x6100] =	vst v3  }
0xf1: {  	v3 =	vld [tilespmem:s13+$0x6100];
	_ =	sdelay $0x1  }
0xf2: {  	v5 =	vld [tilespmem:s13+$0x3100];
	_ =	sdelay $0x2  }
0xf3: {  	v3 =	vadd.f32 v4, v3;
	_ =	sdelay $0x1  }
0xf4: {  	v3 =	vadd.f32 v5, v3  }
0xf5: {  	s14 =	sand.u32 $0x70, s31;
	s1 =	sand.u32 $0x1C00, s31  }
0xf6: {  	s31 =	sor.u32 s14, s1;
	[tilespmem:s13+$0x6100] =	vst v3  }
0xf7: {  	v3 =	vld [tilespmem:s31+$0x1900]  }
0xf8: {  	v4 =	vld [tilespmem:s31+$0x7900];
	_ =	sdelay $0x1  }
0xf9: {  	v5 =	vld [tilespmem:s31+$0x4900];
	_ =	sdelay $0x2  }
0xfa: {  	v3 =	vadd.f32 v3, v4  }
0xfb: {  	s0 =	simm.s32 $0x80  }
0xfc: {  	s30 =	sand.u32 $0x70, s30;
	s12 =	sand.u32 $0x1C00, s0;
	v3 =	vadd.f32 v5, v3  }
0xfd: {  	s1 =	simm.s32 $0x20;
	s12 =	sor.u32 s30, s12  }
.LBB2_18:
0xfe: {  	p0 =	sne.s32 s1, $0x2F0;
	v4 =	vld [tilespmem:s12+$0x1900];
	[tilespmem:s31+$0x7900] =	vst v3;
	s31 =	smov.u32 s12  }
0xff: {  	v3 =	vld [tilespmem:s31+$0x7900];
	_ =	sdelay $0x1  }
0x100: {  	v5 =	vld [tilespmem:s31+$0x4900];
	_ =	sdelay $0x1  }
.Ltmp8:
0x101: {  	(pc) =	sbr.rel @p0 .LBB2_18-.Ltmp8, $4  }
0x102: {  	v3 =	vadd.f32 v4, v3  }
0x103: {  	s0 =	sadd.s32 $0x80, s0  }
0x104: {  	s12 =	sand.u32 $0x70, s1;
	s13 =	sand.u32 $0x1C00, s0;
	v3 =	vadd.f32 v5, v3  }
0x105: {  	s1 =	sadd.s32 $0x10, s1;
	s12 =	sor.u32 s12, s13  }
0x106: {  	v4 =	vld [tilespmem:s12+$0x1900];
	[tilespmem:s31+$0x7900] =	vst v3  }
0x107: {  	v3 =	vld [tilespmem:s12+$0x7900];
	_ =	sdelay $0x1  }
0x108: {  	v5 =	vld [tilespmem:s12+$0x4900];
	_ =	sdelay $0x2  }
0x109: {  	v3 =	vadd.f32 v4, v3;
	_ =	sdelay $0x1  }
0x10a: {  	s0 =	simm.s32 $0x0;
	v3 =	vadd.f32 v5, v3  }
0x10b: {  	s1 =	sand.u32 $0x70, s0;
	s0 =	sand.u32 $0x1C00, s0  }
0x10c: {  	s30 =	sor.u32 s1, s0;
	[tilespmem:s12+$0x7900] =	vst v3  }
0x10d: {  	v3 =	vld [tilespmem:s30+$0x1980]  }
0x10e: {  	v4 =	vld [tilespmem:s30+$0x7980];
	_ =	sdelay $0x1  }
0x10f: {  	v5 =	vld [tilespmem:s30+$0x4980];
	_ =	sdelay $0x2  }
0x110: {  	v3 =	vadd.f32 v3, v4  }
0x111: {  	s13 =	simm.s32 $0x10;
	s0 =	simm.s32 $0x80  }
0x112: {  	s31 =	sand.u32 $0x70, s13;
	s14 =	sand.u32 $0x1C00, s0;
	v3 =	vadd.f32 v5, v3  }
0x113: {  	s1 =	smov.u32 s30;
	s13 =	sor.u32 s31, s14;
	s12 =	simm.s32 $0x20  }
.LBB2_20:
0x114: {  	p0 =	sne.s32 s12, $0x2F0;
	v4 =	vld [tilespmem:s13+$0x1980];
	[tilespmem:s1+$0x7980] =	vst v3;
	s1 =	smov.u32 s13  }
0x115: {  	v3 =	vld [tilespmem:s1+$0x7980];
	_ =	sdelay $0x1  }
0x116: {  	v5 =	vld [tilespmem:s1+$0x4980];
	_ =	sdelay $0x1  }
.Ltmp9:
0x117: {  	(pc) =	sbr.rel @p0 .LBB2_20-.Ltmp9, $4  }
0x118: {  	v3 =	vadd.f32 v4, v3  }
0x119: {  	s0 =	sadd.s32 $0x80, s0  }
0x11a: {  	s13 =	sand.u32 $0x70, s12;
	s14 =	sand.u32 $0x1C00, s0;
	v3 =	vadd.f32 v5, v3  }
0x11b: {  	s12 =	sadd.s32 $0x10, s12;
	s13 =	sor.u32 s13, s14  }
0x11c: {  	v4 =	vld [tilespmem:s13+$0x1980];
	[tilespmem:s1+$0x7980] =	vst v3  }
0x11d: {  	v3 =	vld [tilespmem:s13+$0x7980];
	_ =	sdelay $0x1  }
0x11e: {  	v5 =	vld [tilespmem:s13+$0x4980];
	_ =	sdelay $0x2  }
0x11f: {  	v3 =	vadd.f32 v4, v3;
	_ =	sdelay $0x1  }
0x120: {  	v3 =	vadd.f32 v5, v3;
	_ =	sdelay $0x1  }
0x121: {  	[tilespmem:s13+$0x7980] =	vst v3  }
0x122: {  	v3 =	vld [tilespmem:s30+$0x1A00]  }
0x123: {  	v4 =	vld [tilespmem:s30+$0x7A00];
	_ =	sdelay $0x1  }
0x124: {  	v5 =	vld [tilespmem:s30+$0x4A00];
	_ =	sdelay $0x2  }
0x125: {  	v3 =	vadd.f32 v3, v4  }
0x126: {  	s0 =	simm.s32 $0x80  }
0x127: {  	s14 =	sand.u32 $0x1C00, s0;
	v3 =	vadd.f32 v5, v3  }
0x128: {  	s1 =	simm.s32 $0x20;
	s12 =	sor.u32 s31, s14  }
.LBB2_22:
0x129: {  	p0 =	sne.s32 s1, $0x2F0;
	v4 =	vld [tilespmem:s12+$0x1A00];
	[tilespmem:s30+$0x7A00] =	vst v3;
	s30 =	smov.u32 s12  }
0x12a: {  	v3 =	vld [tilespmem:s30+$0x7A00];
	_ =	sdelay $0x1  }
0x12b: {  	v5 =	vld [tilespmem:s30+$0x4A00];
	_ =	sdelay $0x1  }
.Ltmp10:
0x12c: {  	(pc) =	sbr.rel @p0 .LBB2_22-.Ltmp10, $4  }
0x12d: {  	v3 =	vadd.f32 v4, v3  }
0x12e: {  	s0 =	sadd.s32 $0x80, s0  }
0x12f: {  	s12 =	sand.u32 $0x70, s1;
	s13 =	sand.u32 $0x1C00, s0;
	v3 =	vadd.f32 v5, v3  }
0x130: {  	s1 =	sadd.s32 $0x10, s1;
	s12 =	sor.u32 s12, s13  }
0x131: {  	v4 =	vld [tilespmem:s12+$0x1A00];
	[tilespmem:s30+$0x7A00] =	vst v3  }
0x132: {  	v3 =	vld [tilespmem:s12+$0x7A00];
	_ =	sdelay $0x1  }
0x133: {  	v5 =	vld [tilespmem:s12+$0x4A00];
	_ =	sdelay $0x2  }
0x134: {  	v3 =	vadd.f32 v4, v3;
	_ =	sdelay $0x1  }
0x135: {  	s0 =	simm.s32 $0x0;
	v3 =	vadd.f32 v5, v3  }
0x136: {  	s1 =	sand.u32 $0x70, s0;
	s0 =	sand.u32 $0x1C00, s0  }
0x137: {  	s30 =	sor.u32 s1, s0;
	[tilespmem:s12+$0x7A00] =	vst v3  }
0x138: {  	v3 =	vld [tilespmem:s30+$0x1A80]  }
0x139: {  	v4 =	vld [tilespmem:s30+$0x7A80];
	_ =	sdelay $0x1  }
0x13a: {  	v5 =	vld [tilespmem:s30+$0x4A80];
	_ =	sdelay $0x2  }
0x13b: {  	v3 =	vadd.f32 v3, v4  }
0x13c: {  	s13 =	simm.s32 $0x10;
	s0 =	simm.s32 $0x80  }
0x13d: {  	s31 =	sand.u32 $0x70, s13;
	s14 =	sand.u32 $0x1C00, s0;
	v3 =	vadd.f32 v5, v3  }
0x13e: {  	s1 =	smov.u32 s30;
	s13 =	sor.u32 s31, s14;
	s12 =	simm.s32 $0x20  }
.LBB2_24:
0x13f: {  	p0 =	sne.s32 s12, $0x2F0;
	v4 =	vld [tilespmem:s13+$0x1A80];
	[tilespmem:s1+$0x7A80] =	vst v3;
	s1 =	smov.u32 s13  }
0x140: {  	v3 =	vld [tilespmem:s1+$0x7A80];
	_ =	sdelay $0x1  }
0x141: {  	v5 =	vld [tilespmem:s1+$0x4A80];
	_ =	sdelay $0x1  }
.Ltmp11:
0x142: {  	(pc) =	sbr.rel @p0 .LBB2_24-.Ltmp11, $4  }
0x143: {  	v3 =	vadd.f32 v4, v3  }
0x144: {  	s0 =	sadd.s32 $0x80, s0  }
0x145: {  	s13 =	sand.u32 $0x70, s12;
	s14 =	sand.u32 $0x1C00, s0;
	v3 =	vadd.f32 v5, v3  }
0x146: {  	s12 =	sadd.s32 $0x10, s12;
	s13 =	sor.u32 s13, s14  }
0x147: {  	v4 =	vld [tilespmem:s13+$0x1A80];
	[tilespmem:s1+$0x7A80] =	vst v3  }
0x148: {  	v3 =	vld [tilespmem:s13+$0x7A80];
	_ =	sdelay $0x1  }
0x149: {  	v5 =	vld [tilespmem:s13+$0x4A80];
	_ =	sdelay $0x2  }
0x14a: {  	v3 =	vadd.f32 v4, v3;
	_ =	sdelay $0x1  }
0x14b: {  	v3 =	vadd.f32 v5, v3;
	_ =	sdelay $0x1  }
0x14c: {  	[tilespmem:s13+$0x7A80] =	vst v3  }
0x14d: {  	v3 =	vld [tilespmem:s30+$0x1B00]  }
0x14e: {  	v4 =	vld [tilespmem:s30+$0x7B00];
	_ =	sdelay $0x1  }
0x14f: {  	v5 =	vld [tilespmem:s30+$0x4B00];
	_ =	sdelay $0x2  }
0x150: {  	v3 =	vadd.f32 v3, v4  }
0x151: {  	s0 =	simm.s32 $0x80  }
0x152: {  	s14 =	sand.u32 $0x1C00, s0;
	v3 =	vadd.f32 v5, v3  }
0x153: {  	s1 =	simm.s32 $0x20;
	s12 =	sor.u32 s31, s14  }
.LBB2_26:
0x154: {  	p0 =	sne.s32 s1, $0x2F0;
	v4 =	vld [tilespmem:s12+$0x1B00];
	[tilespmem:s30+$0x7B00] =	vst v3;
	s30 =	smov.u32 s12  }
0x155: {  	v3 =	vld [tilespmem:s30+$0x7B00];
	_ =	sdelay $0x1  }
0x156: {  	v5 =	vld [tilespmem:s30+$0x4B00];
	_ =	sdelay $0x1  }
.Ltmp12:
0x157: {  	(pc) =	sbr.rel @p0 .LBB2_26-.Ltmp12, $4  }
0x158: {  	v3 =	vadd.f32 v4, v3  }
0x159: {  	s0 =	sadd.s32 $0x80, s0  }
0x15a: {  	s12 =	sand.u32 $0x70, s1;
	s13 =	sand.u32 $0x1C00, s0;
	v3 =	vadd.f32 v5, v3  }
0x15b: {  	s1 =	sadd.s32 $0x10, s1;
	s12 =	sor.u32 s12, s13  }
0x15c: {  	v4 =	vld [tilespmem:s12+$0x1B00];
	[tilespmem:s30+$0x7B00] =	vst v3  }
0x15d: {  	v3 =	vld [tilespmem:s12+$0x7B00];
	_ =	sdelay $0x1  }
0x15e: {  	v5 =	vld [tilespmem:s12+$0x4B00];
	_ =	sdelay $0x2  }
0x15f: {  	v3 =	vadd.f32 v4, v3;
	_ =	sdelay $0x1  }
0x160: {  	s0 =	simm.s32 $0x0;
	v3 =	vadd.f32 v5, v3  }
0x161: {  	s1 =	sand.u32 $0x70, s0;
	s0 =	sand.u32 $0x1C00, s0  }
0x162: {  	s30 =	sor.u32 s1, s0;
	[tilespmem:s12+$0x7B00] =	vst v3  }
0x163: {  	v3 =	vld [tilespmem:s30+$0x1B80]  }
0x164: {  	v4 =	vld [tilespmem:s30+$0x7B80];
	_ =	sdelay $0x1  }
0x165: {  	v5 =	vld [tilespmem:s30+$0x4B80];
	_ =	sdelay $0x2  }
0x166: {  	v3 =	vadd.f32 v3, v4  }
0x167: {  	s13 =	simm.s32 $0x10;
	s0 =	simm.s32 $0x80  }
0x168: {  	s31 =	sand.u32 $0x70, s13;
	s14 =	sand.u32 $0x1C00, s0;
	v3 =	vadd.f32 v5, v3  }
0x169: {  	s1 =	smov.u32 s30;
	s13 =	sor.u32 s31, s14;
	s12 =	simm.s32 $0x20  }
.LBB2_28:
0x16a: {  	p0 =	sne.s32 s12, $0x2F0;
	v4 =	vld [tilespmem:s13+$0x1B80];
	[tilespmem:s1+$0x7B80] =	vst v3;
	s1 =	smov.u32 s13  }
0x16b: {  	v3 =	vld [tilespmem:s1+$0x7B80];
	_ =	sdelay $0x1  }
0x16c: {  	v5 =	vld [tilespmem:s1+$0x4B80];
	_ =	sdelay $0x1  }
.Ltmp13:
0x16d: {  	(pc) =	sbr.rel @p0 .LBB2_28-.Ltmp13, $4  }
0x16e: {  	v3 =	vadd.f32 v4, v3  }
0x16f: {  	s0 =	sadd.s32 $0x80, s0  }
0x170: {  	s13 =	sand.u32 $0x70, s12;
	s14 =	sand.u32 $0x1C00, s0;
	v3 =	vadd.f32 v5, v3  }
0x171: {  	s12 =	sadd.s32 $0x10, s12;
	s13 =	sor.u32 s13, s14  }
0x172: {  	v4 =	vld [tilespmem:s13+$0x1B80];
	[tilespmem:s1+$0x7B80] =	vst v3  }
0x173: {  	v3 =	vld [tilespmem:s13+$0x7B80];
	_ =	sdelay $0x1  }
0x174: {  	v5 =	vld [tilespmem:s13+$0x4B80];
	_ =	sdelay $0x2  }
0x175: {  	v3 =	vadd.f32 v4, v3;
	_ =	sdelay $0x1  }
0x176: {  	v3 =	vadd.f32 v5, v3;
	_ =	sdelay $0x1  }
0x177: {  	[tilespmem:s13+$0x7B80] =	vst v3  }
0x178: {  	v3 =	vld [tilespmem:s30+$0x1C00]  }
0x179: {  	v4 =	vld [tilespmem:s30+$0x7C00];
	_ =	sdelay $0x1  }
0x17a: {  	v5 =	vld [tilespmem:s30+$0x4C00];
	_ =	sdelay $0x2  }
0x17b: {  	v3 =	vadd.f32 v3, v4  }
0x17c: {  	s0 =	simm.s32 $0x80  }
0x17d: {  	s14 =	sand.u32 $0x1C00, s0;
	v3 =	vadd.f32 v5, v3  }
0x17e: {  	s1 =	simm.s32 $0x20;
	s12 =	sor.u32 s31, s14  }
.LBB2_30:
0x17f: {  	p0 =	sne.s32 s1, $0x2F0;
	v4 =	vld [tilespmem:s12+$0x1C00];
	[tilespmem:s30+$0x7C00] =	vst v3;
	s30 =	smov.u32 s12  }
0x180: {  	v3 =	vld [tilespmem:s30+$0x7C00];
	_ =	sdelay $0x1  }
0x181: {  	v5 =	vld [tilespmem:s30+$0x4C00];
	_ =	sdelay $0x1  }
.Ltmp14:
0x182: {  	(pc) =	sbr.rel @p0 .LBB2_30-.Ltmp14, $4  }
0x183: {  	v3 =	vadd.f32 v4, v3  }
0x184: {  	s0 =	sadd.s32 $0x80, s0  }
0x185: {  	s12 =	sand.u32 $0x70, s1;
	s13 =	sand.u32 $0x1C00, s0;
	v3 =	vadd.f32 v5, v3  }
0x186: {  	s1 =	sadd.s32 $0x10, s1;
	s12 =	sor.u32 s12, s13  }
0x187: {  	v4 =	vld [tilespmem:s12+$0x1C00];
	[tilespmem:s30+$0x7C00] =	vst v3  }
0x188: {  	v3 =	vld [tilespmem:s12+$0x7C00];
	_ =	sdelay $0x1  }
0x189: {  	v5 =	vld [tilespmem:s12+$0x4C00];
	_ =	sdelay $0x2  }
0x18a: {  	v3 =	vadd.f32 v4, v3;
	_ =	sdelay $0x1  }
0x18b: {  	s0 =	simm.s32 $0x0;
	v3 =	vadd.f32 v5, v3  }
0x18c: {  	s1 =	sand.u32 $0x70, s0;
	s0 =	sand.u32 $0x1C00, s0  }
0x18d: {  	s30 =	sor.u32 s1, s0;
	[tilespmem:s12+$0x7C00] =	vst v3  }
0x18e: {  	v3 =	vld [tilespmem:s30+$0x1C80]  }
0x18f: {  	v4 =	vld [tilespmem:s30+$0x7C80];
	_ =	sdelay $0x1  }
0x190: {  	v5 =	vld [tilespmem:s30+$0x4C80];
	_ =	sdelay $0x2  }
0x191: {  	v3 =	vadd.f32 v3, v4  }
0x192: {  	s14 =	simm.s32 $0x10;
	s0 =	simm.s32 $0x80  }
0x193: {  	s1 =	sand.u32 $0x70, s14;
	s31 =	sand.u32 $0x1C00, s0;
	v3 =	vadd.f32 v5, v3  }
0x194: {  	s12 =	sor.u32 s1, s31;
	s1 =	simm.s32 $0x20  }
.LBB2_32:
0x195: {  	p0 =	sne.s32 s1, $0x2F0;
	v4 =	vld [tilespmem:s12+$0x1C80];
	[tilespmem:s30+$0x7C80] =	vst v3;
	s30 =	smov.u32 s12  }
0x196: {  	v3 =	vld [tilespmem:s30+$0x7C80];
	_ =	sdelay $0x1  }
0x197: {  	v5 =	vld [tilespmem:s30+$0x4C80];
	_ =	sdelay $0x1  }
.Ltmp15:
0x198: {  	(pc) =	sbr.rel @p0 .LBB2_32-.Ltmp15, $4  }
0x199: {  	v3 =	vadd.f32 v4, v3  }
0x19a: {  	s0 =	sadd.s32 $0x80, s0  }
0x19b: {  	s12 =	sand.u32 $0x70, s1;
	s13 =	sand.u32 $0x1C00, s0;
	v3 =	vadd.f32 v5, v3  }
0x19c: {  	s1 =	sadd.s32 $0x10, s1;
	s12 =	sor.u32 s12, s13  }
0x19d: {  	v4 =	vld [tilespmem:s12+$0x1C80];
	[tilespmem:s30+$0x7C80] =	vst v3  }
0x19e: {  	v3 =	vld [tilespmem:s12+$0x7C80];
	_ =	sdelay $0x1  }
0x19f: {  	v5 =	vld [tilespmem:s12+$0x4C80];
	_ =	sdelay $0x2  }
0x1a0: {  	v3 =	vadd.f32 v4, v3;
	_ =	sdelay $0x1  }
0x1a1: {  	s29 =	sadd.s32 $0x1, s29;
	v3 =	vadd.f32 v5, v3  }
0x1a2: {  	p0 =	sne.s32 s29, s10  }
.Ltmp16:
0x1a3: {  	[tilespmem:s12+$0x7C80] =	vst v3;
	(pc) =	sbr.rel @p0 .LBB2_1-.Ltmp16, $4  }
0x1a4: {  	[hbm4b:s9+s2] =	stream.linear.scatter [tilespmem:s25], [sflag:$0x3], $0x3000, $0x38;
	[tilespmem:$0x9100] =	vst v63  }
0x1a5: {  	_ =	swait.ge [sflag:s11], $0x3000  }
0x1a6: {  	[sflag:s11] =	ssyncset.done $0x0  }
0x1a7: {  	[sflag:s11] =	ssyncadd.s32 $0xFFFFD000  }
0x1a8: {  	_ =	sfence.sel $0x180000  }
0x1a9: {  	[bflag:$0x0] =	sbarrier.arrive $0xFFFF  }
0x1aa: {  	_ =	strace $0x90000047  }
0x1ab: {  	s0 =	stileid.u32;
	[bflag:$0x2] =	sbarrier.arrive $0xFFFF  }
0x1ac: {  	p0 =	sne.s32 s0, $0x0;
	s0 =	rddreg [dreg:$0x2]  }
0x1ad: {  	s0 =	sadd.s32 @!p0 $0x100000, s0  }
0x1ae: {  	[sflag:s0] =	ssyncadd.tile.s32 @!p0 $0x1;
	_ =	shalt  }
.Lfunc_end2:
_tile_overlayer_lowered:
.L_overlay_start_2:
0x1af: {  	(tag) =	ssettag $0x2  }
0x1b0: {  	s0 =	rddreg [dreg:$0x0];
	s2 =	stileid.u32  }
0x1b1: {  	s1 =	rddreg [dreg:$0x1];
	p0 =	sne.s32 s2, $0x0  }
0x1b2: {  	s3 =	rddreg [dreg:$0x2];
	[bflag:$0x3] =	sbarrier.arrive $0xFFFF;
	s2 =	simm.s32 @!p0 $0x1C03  }
0x1b3: {  	[timem:s3], [sflag:s2] =	dma.local @!p0 [hbm:s0], s1  }
0x1b4: {  	s0 =	simm.s32 @!p0 $0x3  }
0x1b5: {  	_ =	swait.ge @!p0 [sflag:s0], s1  }
0x1b6: {  	s1 =	ssub.s32 @!p0 $0x0, s1;
	[sflag:s0] =	ssyncset.done @!p0 $0x0  }
0x1b7: {  	[sflag:s0] =	ssyncadd.s32 @!p0 s1  }
0x1b8: {  	[bflag:$0x3] =	sbarrier.arrive $0xFFFF  }
0x1b9: {  	_ =	shalt  }

</sc_bundles>
